<compile_context>
chip_gen: v7x
topology: tpu7x:2x2x1
jax: 0.10.2.dev20260603
libtpu: 0.0.44.dev20260713+nightly
codegen_flags: <defaults>
</compile_context>

<pallas_src>
import functools

import jax
import jax.numpy as jnp
from jax import lax
from jax.experimental import pallas as pl
from jax.experimental.pallas import tpu as pltpu
from jax.experimental.pallas import tpu_sc as plsc

_B, _L = 16384, 200
_N = _B * _L
_V, _D = 100, 10
_VG = 7
_TPAD = _VG * 16 * _D

_INFO = plsc.get_sparse_core_info()
_NC, _NS = _INFO.num_cores, _INFO.num_subcores
_NW = _NC * _NS
_TR = _L // 8
_TC = _B // 128
_JS = 16
_NU = _TR * (_TC // _JS)
_NROUND = 7


def _lut(tab_v, w_v, scores_v):
    b_vec = w_v[pl.ds(_D * 16, 16)]

    def _group(g, c):
        vid = lax.iota(jnp.int32, 16) + g * 16
        acc = b_vec
        for d in range(_D):
            col = plsc.load_gather(tab_v, [vid * _D + d])
            acc = acc + col * w_v[pl.ds(d * 16, 16)]
        scores_v[pl.ds(g * 16, 16)] = acc
        return c

    lax.fori_loop(0, _VG, _group, 0)


def _body(xq_hbm, tab_hbm, w_hbm, out_hbm,
          tab_v, w_v, scores_v, idx0_v, idx1_v, res0_v, res1_v,
          in0_sem, in1_sem, out0_sem, out1_sem):
    t = lax.axis_index("s") * _NC + lax.axis_index("c")

    idx_bufs = (idx0_v, idx1_v)
    res_bufs = (res0_v, res1_v)
    in_sems = (in0_sem, in1_sem)
    out_sems = (out0_sem, out1_sem)

    def in_cp(k, bi):
        u = jnp.minimum(t + _NW * k, _NU - 1)
        return pltpu.make_async_copy(
            xq_hbm.at[u >> 3, pl.ds((u & 7) * _JS, _JS), :, :],
            idx_bufs[bi], in_sems[bi])

    def out_cp(k, bi):
        u = jnp.minimum(t + _NW * k, _NU - 1)
        return pltpu.make_async_copy(
            res_bufs[bi],
            out_hbm.at[pl.ds((u >> 3) * 8, 8), pl.ds((u & 7) * _JS, _JS), :],
            out_sems[bi])

    in_cp(0, 0).start()
    pltpu.sync_copy(tab_hbm, tab_v)
    pltpu.sync_copy(w_hbm, w_v)
    _lut(tab_v, w_v, scores_v)

    def _round(k, bi):
        @pl.when(k + 1 < _NROUND)
        def _():
            in_cp(k + 1, 1 - bi).start()
        in_cp(k, bi).wait()

        @pl.when(k >= 2)
        def _():
            out_cp(k - 2, bi).wait()
        idx_v = idx_bufs[bi]
        res_v = res_bufs[bi]

        @plsc.parallel_loop(0, _JS * 8, step=1)
        def _gather(i):
            j = i >> 3
            s = i & 7
            for l in range(8):
                idx = idx_v[j, s, pl.ds(l * 16, 16)]
                res_v[s, j, pl.ds(l * 16, 16)] = (
                    plsc.load_gather(scores_v, [idx]))

        @pl.when(t + _NW * k < _NU)
        def _():
            out_cp(k, bi).start()

    def _step(k, c):
        @pl.when(k % 2 == 0)
        def _():
            _round(k, 0)

        @pl.when(k % 2 == 1)
        def _():
            _round(k, 1)
        return c

    lax.fori_loop(0, _NROUND, _step, 0)

    for k in range(_NROUND - 2, _NROUND):
        @pl.when(t + _NW * k < _NU)
        def _():
            out_cp(k, k % 2).wait()


@jax.jit
def _run(xq, tab_flat, wb):
    mesh = plsc.VectorSubcoreMesh(core_axis_name="c", subcore_axis_name="s")
    kfn = pl.kernel(
        _body,
        out_type=jax.ShapeDtypeStruct((_L, _TC, 128), jnp.float32),
        mesh=mesh,
        compiler_params=pltpu.CompilerParams(
            needs_layout_passes=False,
            disable_bounds_checks=True,
            disable_semaphore_checks=True,
        ),
        scratch_types=[
            pltpu.VMEM((_TPAD,), jnp.float32),
            pltpu.VMEM(((_D + 1) * 16,), jnp.float32),
            pltpu.VMEM((_VG * 16,), jnp.float32),
            pltpu.VMEM((_JS, 8, 128), jnp.int32),
            pltpu.VMEM((_JS, 8, 128), jnp.int32),
            pltpu.VMEM((8, _JS, 128), jnp.float32),
            pltpu.VMEM((8, _JS, 128), jnp.float32),
            pltpu.SemaphoreType.DMA,
            pltpu.SemaphoreType.DMA,
            pltpu.SemaphoreType.DMA,
            pltpu.SemaphoreType.DMA,
        ],
    )
    return kfn(xq, tab_flat, wb)


def kernel(x, embed_table, lin_w, lin_b):
    xq = (x.astype(jnp.int32).T
          .reshape(_TR, 8, _TC, 128)
          .transpose(0, 2, 1, 3))
    tab_flat = jnp.pad(embed_table.reshape(-1), (0, _TPAD - _V * _D))
    wb = jnp.concatenate([
        jnp.repeat(lin_w.reshape(-1), 16),
        jnp.broadcast_to(lin_b, (16,)),
    ])
    out_t = _run(xq, tab_flat, wb).reshape(_L, _B, 1)
    return out_t.transpose(1, 0, 2)

# --- scband reference (transcript-rebuilt; emitter-appended) ---
"""Pipeline reference for scband-model-embed-in-16174846837268 (READ-ONLY COPY).

The authoritative reference and input builder live on the scoring server;
editing this copy changes nothing except your own understanding.
"""

import jax, jax.numpy as jnp
import numpy as np

def setup_inputs(seed: int = 0) -> dict:
    key = jax.random.key(seed)
    k1, k2, k3, k4 = jax.random.split(key, 4)
    x = jax.random.randint(k1, (16384, 200), 0, 100, dtype=jnp.int64)
    # Embedding(100, 10) table
    embed_table = jax.random.normal(k2, (100, 10), dtype=jnp.float32)
    # Linear(10, 1): weight [1, 10], bias [1]
    lin_w = jax.random.normal(k3, (1, 10), dtype=jnp.float32) * (1.0 / np.sqrt(10))
    lin_b = jax.random.normal(k4, (1,), dtype=jnp.float32) * (1.0 / np.sqrt(10))
    return {"x": x, "embed_table": embed_table, "lin_w": lin_w, "lin_b": lin_b}

def reference(x, embed_table, lin_w, lin_b):
    # embedding lookup (gather)
    emb = jnp.take(embed_table, x, axis=0)  # [B, L, 10]
    # linear layer: emb @ W^T + b
    out = jnp.einsum('bld,od->blo', emb, lin_w) + lin_b  # [B, L, 1]
    return out

if __name__ == "__main__":
    import jax
    _d = setup_inputs()
    print(jax.jit(kernel)(*tuple(_d.values())))

</pallas_src>

<mosaic_0001>
#map = affine_map<(d0, d1) -> (0, 0, 0, 0)>
#map1 = affine_map<(d0, d1) -> (0)>
#map2 = affine_map<(d0, d1) -> (0, 0, 0)>
module attributes {stable_mosaic.version = 14 : i64} {
  func.func @_body(%arg0: i32, %arg1: i32, %arg2: memref<25x128x8x128xi32, #tpu.memory_space<hbm>>, %arg3: memref<1120xf32, #tpu.memory_space<hbm>>, %arg4: memref<176xf32, #tpu.memory_space<hbm>>, %arg5: memref<200x128x128xf32, #tpu.memory_space<hbm>>, %arg6: memref<1120xf32, #tpu.memory_space<vmem>>, %arg7: memref<176xf32, #tpu.memory_space<vmem>>, %arg8: memref<112xf32, #tpu.memory_space<vmem>>, %arg9: memref<16x8x128xi32, #tpu.memory_space<vmem>>, %arg10: memref<16x8x128xi32, #tpu.memory_space<vmem>>, %arg11: memref<8x16x128xf32, #tpu.memory_space<vmem>>, %arg12: memref<8x16x128xf32, #tpu.memory_space<vmem>>, %arg13: memref<!tpu.dma_semaphore, #tpu.memory_space<semaphore_mem>>, %arg14: memref<!tpu.dma_semaphore, #tpu.memory_space<semaphore_mem>>, %arg15: memref<!tpu.dma_semaphore, #tpu.memory_space<semaphore_mem>>, %arg16: memref<!tpu.dma_semaphore, #tpu.memory_space<semaphore_mem>>) attributes {dimension_semantics = [#tpu.dimension_semantics<core_parallel>, #tpu.dimension_semantics<subcore_parallel>], iteration_bounds = array<i64: 2, 16>, scalar_prefetch = 0 : i64, scratch_operands = 11 : i64, tpu.core_type = #tpu.core_type<sc_vector_subcore>, window_params = [{transform_indices = #map}, {transform_indices = #map1}, {transform_indices = #map1}, {transform_indices = #map2}]} {
    %mul3A = arith.constant 2 : i32
    %mul3A_0 = arith.muli %arg1, %mul3A : i32
    %add3A = arith.addi %mul3A_0, %arg0 : i32
    %add3A_1 = arith.constant 0 : i32
    %add3A_2 = arith.addi %add3A, %add3A_1 : i32
    %min3A = arith.constant 199 : i32
    %min3A_3 = arith.minsi %add3A_2, %min3A : i32
    %shift_right_arithmetic3A = arith.constant 3 : i32
    %shift_right_arithmetic3A_4 = arith.shrsi %min3A_3, %shift_right_arithmetic3A : i32
    %and3A = arith.constant 7 : i32
    %and3A_5 = arith.andi %min3A_3, %and3A : i32
    %mul3A_6 = arith.constant 16 : i32
    %mul3A_7 = arith.muli %and3A_5, %mul3A_6 : i32
    %dma_start3A = arith.constant 0 : i32
    %dma_start3A_8 = arith.constant 0 : i32
    %dma_start3A_9 = tpu.memref_slice %arg2[%shift_right_arithmetic3A_4, %mul3A_7, %dma_start3A, %dma_start3A_8] : memref<25x128x8x128xi32, #tpu.memory_space<hbm>> -> memref<1x16x8x128xi32, #tpu.memory_space<hbm>>
    %dma_start3A_10 = tpu.memref_squeeze %dma_start3A_9 : memref<1x16x8x128xi32, #tpu.memory_space<hbm>> -> memref<16x8x128xi32, #tpu.memory_space<hbm>>
    %dma_start3A_11 = arith.constant 0 : i32
    %dma_start3A_12 = arith.constant 0 : i32
    %dma_start3A_13 = tpu.memref_slice %arg2[%shift_right_arithmetic3A_4, %mul3A_7, %dma_start3A_11, %dma_start3A_12] : memref<25x128x8x128xi32, #tpu.memory_space<hbm>> -> memref<1x16x8x128xi32, #tpu.memory_space<hbm>>
    %dma_start3A_14 = tpu.memref_squeeze %dma_start3A_13 : memref<1x16x8x128xi32, #tpu.memory_space<hbm>> -> memref<16x8x128xi32, #tpu.memory_space<hbm>>
    tpu.enqueue_dma source(%dma_start3A_14 : memref<16x8x128xi32, #tpu.memory_space<hbm>>) target(%arg9 : memref<16x8x128xi32, #tpu.memory_space<vmem>>) target_semaphore(%arg13 : memref<!tpu.dma_semaphore, #tpu.memory_space<semaphore_mem>>)
    "tpu.region"() ({
      %run_scoped3A = tpu.sem_alloc : memref<!tpu.dma_semaphore, #tpu.memory_space<semaphore_mem>>
      tpu.enqueue_dma source(%arg3 : memref<1120xf32, #tpu.memory_space<hbm>>) target(%arg6 : memref<1120xf32, #tpu.memory_space<vmem>>) target_semaphore(%run_scoped3A : memref<!tpu.dma_semaphore, #tpu.memory_space<semaphore_mem>>)
      tpu.wait_dma2 semaphore(%run_scoped3A : memref<!tpu.dma_semaphore, #tpu.memory_space<semaphore_mem>>) src(%arg3 : memref<1120xf32, #tpu.memory_space<hbm>>) dst(%arg6 : memref<1120xf32, #tpu.memory_space<vmem>>)
      tpu.yield
    }) : () -> ()
    "tpu.region"() ({
      %run_scoped3A = tpu.sem_alloc : memref<!tpu.dma_semaphore, #tpu.memory_space<semaphore_mem>>
      tpu.enqueue_dma source(%arg4 : memref<176xf32, #tpu.memory_space<hbm>>) target(%arg7 : memref<176xf32, #tpu.memory_space<vmem>>) target_semaphore(%run_scoped3A : memref<!tpu.dma_semaphore, #tpu.memory_space<semaphore_mem>>)
      tpu.wait_dma2 semaphore(%run_scoped3A : memref<!tpu.dma_semaphore, #tpu.memory_space<semaphore_mem>>) src(%arg4 : memref<176xf32, #tpu.memory_space<hbm>>) dst(%arg7 : memref<176xf32, #tpu.memory_space<vmem>>)
      tpu.yield
    }) : () -> ()
    %get3A = arith.constant 160 : index
    %get3A_15 = tpu.vector_load %arg7[%get3A] {strides = array<i32>} : memref<176xf32, #tpu.memory_space<vmem>>, vector<16xf32>,
    %scan3A = arith.constant 0 : i32
    %scan3A_16 = arith.constant 0 : i32
    %scan3A_17 = arith.constant 7 : i32
    %scan3A_18 = arith.addi %scan3A_16, %scan3A_17 : i32
    %scan3A_19 = arith.constant 1 : i32
    scf.for %scan3A_38 = %scan3A_16 to %scan3A_18 step %scan3A_19  : i32 {
      %iota3A = tpu.iota {dimensions = array<i32: 0>} : vector<16xi32>
      %mul3A_39 = arith.constant 16 : i32
      %mul3A_40 = arith.muli %scan3A_38, %mul3A_39 : i32
      %add3A_41 = vector.broadcast %mul3A_40 : i32 to vector<16xi32>
      %add3A_42 = arith.addi %iota3A, %add3A_41 : vector<16xi32>
      %mul3A_43 = arith.constant 10 : i32
      %mul3A_44 = vector.broadcast %mul3A_43 : i32 to vector<16xi32>
      %mul3A_45 = arith.muli %add3A_42, %mul3A_44 : vector<16xi32>
      %add3A_46 = arith.constant 0 : i32
      %add3A_47 = vector.broadcast %add3A_46 : i32 to vector<16xi32>
      %add3A_48 = arith.addi %mul3A_45, %add3A_47 : vector<16xi32>
      %gather3A = tpu.vector_load_idx %arg6[%add3A_48] : memref<1120xf32, #tpu.memory_space<vmem>>[vector<16xi32>], vector<16xf32>,
      %get3A_49 = arith.constant 0 : index
      %get3A_50 = tpu.vector_load %arg7[%get3A_49] {strides = array<i32>} : memref<176xf32, #tpu.memory_space<vmem>>, vector<16xf32>,
      %mul3A_51 = arith.mulf %gather3A, %get3A_50 : vector<16xf32>
      %add3A_52 = arith.addf %get3A_15, %mul3A_51 : vector<16xf32>
      %mul3A_53 = arith.constant 10 : i32
      %mul3A_54 = vector.broadcast %mul3A_53 : i32 to vector<16xi32>
      %mul3A_55 = arith.muli %add3A_42, %mul3A_54 : vector<16xi32>
      %add3A_56 = arith.constant 1 : i32
      %add3A_57 = vector.broadcast %add3A_56 : i32 to vector<16xi32>
      %add3A_58 = arith.addi %mul3A_55, %add3A_57 : vector<16xi32>
      %gather3A_59 = tpu.vector_load_idx %arg6[%add3A_58] : memref<1120xf32, #tpu.memory_space<vmem>>[vector<16xi32>], vector<16xf32>,
      %get3A_60 = arith.constant 16 : index
      %get3A_61 = tpu.vector_load %arg7[%get3A_60] {strides = array<i32>} : memref<176xf32, #tpu.memory_space<vmem>>, vector<16xf32>,
      %mul3A_62 = arith.mulf %gather3A_59, %get3A_61 : vector<16xf32>
      %add3A_63 = arith.addf %add3A_52, %mul3A_62 : vector<16xf32>
      %mul3A_64 = arith.constant 10 : i32
      %mul3A_65 = vector.broadcast %mul3A_64 : i32 to vector<16xi32>
      %mul3A_66 = arith.muli %add3A_42, %mul3A_65 : vector<16xi32>
      %add3A_67 = arith.constant 2 : i32
      %add3A_68 = vector.broadcast %add3A_67 : i32 to vector<16xi32>
      %add3A_69 = arith.addi %mul3A_66, %add3A_68 : vector<16xi32>
      %gather3A_70 = tpu.vector_load_idx %arg6[%add3A_69] : memref<1120xf32, #tpu.memory_space<vmem>>[vector<16xi32>], vector<16xf32>,
      %get3A_71 = arith.constant 32 : index
      %get3A_72 = tpu.vector_load %arg7[%get3A_71] {strides = array<i32>} : memref<176xf32, #tpu.memory_space<vmem>>, vector<16xf32>,
      %mul3A_73 = arith.mulf %gather3A_70, %get3A_72 : vector<16xf32>
      %add3A_74 = arith.addf %add3A_63, %mul3A_73 : vector<16xf32>
      %mul3A_75 = arith.constant 10 : i32
      %mul3A_76 = vector.broadcast %mul3A_75 : i32 to vector<16xi32>
      %mul3A_77 = arith.muli %add3A_42, %mul3A_76 : vector<16xi32>
      %add3A_78 = arith.constant 3 : i32
      %add3A_79 = vector.broadcast %add3A_78 : i32 to vector<16xi32>
      %add3A_80 = arith.addi %mul3A_77, %add3A_79 : vector<16xi32>
      %gather3A_81 = tpu.vector_load_idx %arg6[%add3A_80] : memref<1120xf32, #tpu.memory_space<vmem>>[vector<16xi32>], vector<16xf32>,
      %get3A_82 = arith.constant 48 : index
      %get3A_83 = tpu.vector_load %arg7[%get3A_82] {strides = array<i32>} : memref<176xf32, #tpu.memory_space<vmem>>, vector<16xf32>,
      %mul3A_84 = arith.mulf %gather3A_81, %get3A_83 : vector<16xf32>
      %add3A_85 = arith.addf %add3A_74, %mul3A_84 : vector<16xf32>
      %mul3A_86 = arith.constant 10 : i32
      %mul3A_87 = vector.broadcast %mul3A_86 : i32 to vector<16xi32>
      %mul3A_88 = arith.muli %add3A_42, %mul3A_87 : vector<16xi32>
      %add3A_89 = arith.constant 4 : i32
      %add3A_90 = vector.broadcast %add3A_89 : i32 to vector<16xi32>
      %add3A_91 = arith.addi %mul3A_88, %add3A_90 : vector<16xi32>
      %gather3A_92 = tpu.vector_load_idx %arg6[%add3A_91] : memref<1120xf32, #tpu.memory_space<vmem>>[vector<16xi32>], vector<16xf32>,
      %get3A_93 = arith.constant 64 : index
      %get3A_94 = tpu.vector_load %arg7[%get3A_93] {strides = array<i32>} : memref<176xf32, #tpu.memory_space<vmem>>, vector<16xf32>,
      %mul3A_95 = arith.mulf %gather3A_92, %get3A_94 : vector<16xf32>
      %add3A_96 = arith.addf %add3A_85, %mul3A_95 : vector<16xf32>
      %mul3A_97 = arith.constant 10 : i32
      %mul3A_98 = vector.broadcast %mul3A_97 : i32 to vector<16xi32>
      %mul3A_99 = arith.muli %add3A_42, %mul3A_98 : vector<16xi32>
      %add3A_100 = arith.constant 5 : i32
      %add3A_101 = vector.broadcast %add3A_100 : i32 to vector<16xi32>
      %add3A_102 = arith.addi %mul3A_99, %add3A_101 : vector<16xi32>
      %gather3A_103 = tpu.vector_load_idx %arg6[%add3A_102] : memref<1120xf32, #tpu.memory_space<vmem>>[vector<16xi32>], vector<16xf32>,
      %get3A_104 = arith.constant 80 : index
      %get3A_105 = tpu.vector_load %arg7[%get3A_104] {strides = array<i32>} : memref<176xf32, #tpu.memory_space<vmem>>, vector<16xf32>,
      %mul3A_106 = arith.mulf %gather3A_103, %get3A_105 : vector<16xf32>
      %add3A_107 = arith.addf %add3A_96, %mul3A_106 : vector<16xf32>
      %mul3A_108 = arith.constant 10 : i32
      %mul3A_109 = vector.broadcast %mul3A_108 : i32 to vector<16xi32>
      %mul3A_110 = arith.muli %add3A_42, %mul3A_109 : vector<16xi32>
      %add3A_111 = arith.constant 6 : i32
      %add3A_112 = vector.broadcast %add3A_111 : i32 to vector<16xi32>
      %add3A_113 = arith.addi %mul3A_110, %add3A_112 : vector<16xi32>
      %gather3A_114 = tpu.vector_load_idx %arg6[%add3A_113] : memref<1120xf32, #tpu.memory_space<vmem>>[vector<16xi32>], vector<16xf32>,
      %get3A_115 = arith.constant 96 : index
      %get3A_116 = tpu.vector_load %arg7[%get3A_115] {strides = array<i32>} : memref<176xf32, #tpu.memory_space<vmem>>, vector<16xf32>,
      %mul3A_117 = arith.mulf %gather3A_114, %get3A_116 : vector<16xf32>
      %add3A_118 = arith.addf %add3A_107, %mul3A_117 : vector<16xf32>
      %mul3A_119 = arith.constant 10 : i32
      %mul3A_120 = vector.broadcast %mul3A_119 : i32 to vector<16xi32>
      %mul3A_121 = arith.muli %add3A_42, %mul3A_120 : vector<16xi32>
      %add3A_122 = arith.constant 7 : i32
      %add3A_123 = vector.broadcast %add3A_122 : i32 to vector<16xi32>
      %add3A_124 = arith.addi %mul3A_121, %add3A_123 : vector<16xi32>
      %gather3A_125 = tpu.vector_load_idx %arg6[%add3A_124] : memref<1120xf32, #tpu.memory_space<vmem>>[vector<16xi32>], vector<16xf32>,
      %get3A_126 = arith.constant 112 : index
      %get3A_127 = tpu.vector_load %arg7[%get3A_126] {strides = array<i32>} : memref<176xf32, #tpu.memory_space<vmem>>, vector<16xf32>,
      %mul3A_128 = arith.mulf %gather3A_125, %get3A_127 : vector<16xf32>
      %add3A_129 = arith.addf %add3A_118, %mul3A_128 : vector<16xf32>
      %mul3A_130 = arith.constant 10 : i32
      %mul3A_131 = vector.broadcast %mul3A_130 : i32 to vector<16xi32>
      %mul3A_132 = arith.muli %add3A_42, %mul3A_131 : vector<16xi32>
      %add3A_133 = arith.constant 8 : i32
      %add3A_134 = vector.broadcast %add3A_133 : i32 to vector<16xi32>
      %add3A_135 = arith.addi %mul3A_132, %add3A_134 : vector<16xi32>
      %gather3A_136 = tpu.vector_load_idx %arg6[%add3A_135] : memref<1120xf32, #tpu.memory_space<vmem>>[vector<16xi32>], vector<16xf32>,
      %get3A_137 = arith.constant 128 : index
      %get3A_138 = tpu.vector_load %arg7[%get3A_137] {strides = array<i32>} : memref<176xf32, #tpu.memory_space<vmem>>, vector<16xf32>,
      %mul3A_139 = arith.mulf %gather3A_136, %get3A_138 : vector<16xf32>
      %add3A_140 = arith.addf %add3A_129, %mul3A_139 : vector<16xf32>
      %mul3A_141 = arith.constant 10 : i32
      %mul3A_142 = vector.broadcast %mul3A_141 : i32 to vector<16xi32>
      %mul3A_143 = arith.muli %add3A_42, %mul3A_142 : vector<16xi32>
      %add3A_144 = arith.constant 9 : i32
      %add3A_145 = vector.broadcast %add3A_144 : i32 to vector<16xi32>
      %add3A_146 = arith.addi %mul3A_143, %add3A_145 : vector<16xi32>
      %gather3A_147 = tpu.vector_load_idx %arg6[%add3A_146] : memref<1120xf32, #tpu.memory_space<vmem>>[vector<16xi32>], vector<16xf32>,
      %get3A_148 = arith.constant 144 : index
      %get3A_149 = tpu.vector_load %arg7[%get3A_148] {strides = array<i32>} : memref<176xf32, #tpu.memory_space<vmem>>, vector<16xf32>,
      %mul3A_150 = arith.mulf %gather3A_147, %get3A_149 : vector<16xf32>
      %add3A_151 = arith.addf %add3A_140, %mul3A_150 : vector<16xf32>
      %mul3A_152 = arith.constant 16 : i32
      %mul3A_153 = arith.muli %scan3A_38, %mul3A_152 : i32
      %swap3A = arith.index_cast %mul3A_153 : i32 to index
      %swap3A_154 = tpu.vector_load %arg8[%swap3A] {strides = array<i32>} : memref<112xf32, #tpu.memory_space<vmem>>, vector<16xf32>,
      tpu.vector_store %arg8[%swap3A], %add3A_151 {strides = array<i32>} : memref<112xf32, #tpu.memory_space<vmem>>, vector<16xf32>,
    }
    %scan3A_20 = arith.constant 7 : i32
    %scan3A_21 = arith.constant 0 : i32
    %scan3A_22 = arith.constant 0 : i32
    %scan3A_23 = arith.constant 7 : i32
    %scan3A_24 = arith.addi %scan3A_22, %scan3A_23 : i32
    %scan3A_25 = arith.constant 1 : i32
    scf.for %scan3A_38 = %scan3A_22 to %scan3A_24 step %scan3A_25  : i32 {
      %jit3A = arith.constant 2 : i32
      %eq3A = arith.constant 0 : i32
      %eq3A_39 = arith.cmpi eq, %jit3A, %eq3A : i32
      %jit3A_40 = arith.constant 1 : i32
      %select_n3A = arith.select %eq3A_39, %jit3A_40, %jit3A : i32
      %rem3A = arith.remsi %scan3A_38, %select_n3A : i32
      %ne3A = arith.constant 0 : i32
      %ne3A_41 = arith.cmpi ne, %rem3A, %ne3A : i32
      %lt3A_42 = arith.constant 0 : i32
      %lt3A_43 = arith.cmpi slt, %rem3A, %lt3A_42 : i32
      %lt3A_44 = arith.constant 0 : i32
      %lt3A_45 = arith.cmpi slt, %select_n3A, %lt3A_44 : i32
      %ne3A_46 = arith.xori %lt3A_43, %lt3A_45 : i1
      %and3A_47 = arith.andi %ne3A_46, %ne3A_41 : i1
      %add3A_48 = arith.addi %rem3A, %select_n3A : i32
      %select_n3A_49 = arith.select %and3A_47, %add3A_48, %rem3A : i32
      %eq3A_50 = arith.constant 0 : i32
      %eq3A_51 = arith.cmpi eq, %select_n3A_49, %eq3A_50 : i32
      %convert_element_type3A_52 = arith.extui %eq3A_51 : i1 to i32
      %cond3A_53 = arith.constant 0 : i32
      %cond3A_54 = arith.cmpi ne, %convert_element_type3A_52, %cond3A_53 : i32
      scf.if %cond3A_54 {
        %add3A_76 = arith.constant 1 : i32
        %add3A_77 = arith.addi %scan3A_38, %add3A_76 : i32
        %lt3A_78 = arith.constant 7 : i32
        %lt3A_79 = arith.cmpi slt, %add3A_77, %lt3A_78 : i32
        %convert_element_type3A_80 = arith.extui %lt3A_79 : i1 to i32
        %cond3A_81 = arith.constant 0 : i32
        %cond3A_82 = arith.cmpi ne, %convert_element_type3A_80, %cond3A_81 : i32
        scf.if %cond3A_82 {
          %add3A_115 = arith.constant 1 : i32
          %add3A_116 = arith.addi %scan3A_38, %add3A_115 : i32
          %mul3A_117 = arith.constant 32 : i32
          %mul3A_118 = arith.muli %mul3A_117, %add3A_116 : i32
          %add3A_119 = arith.addi %add3A, %mul3A_118 : i32
          %min3A_120 = arith.constant 199 : i32
          %min3A_121 = arith.minsi %add3A_119, %min3A_120 : i32
          %shift_right_arithmetic3A_122 = arith.constant 3 : i32
          %shift_right_arithmetic3A_123 = arith.shrsi %min3A_121, %shift_right_arithmetic3A_122 : i32
          %and3A_124 = arith.constant 7 : i32
          %and3A_125 = arith.andi %min3A_121, %and3A_124 : i32
          %mul3A_126 = arith.constant 16 : i32
          %mul3A_127 = arith.muli %and3A_125, %mul3A_126 : i32
          %dma_start3A_128 = arith.constant 0 : i32
          %dma_start3A_129 = arith.constant 0 : i32
          %dma_start3A_130 = tpu.memref_slice %arg2[%shift_right_arithmetic3A_123, %mul3A_127, %dma_start3A_128, %dma_start3A_129] : memref<25x128x8x128xi32, #tpu.memory_space<hbm>> -> memref<1x16x8x128xi32, #tpu.memory_space<hbm>>
          %dma_start3A_131 = tpu.memref_squeeze %dma_start3A_130 : memref<1x16x8x128xi32, #tpu.memory_space<hbm>> -> memref<16x8x128xi32, #tpu.memory_space<hbm>>
          %dma_start3A_132 = arith.constant 0 : i32
          %dma_start3A_133 = arith.constant 0 : i32
          %dma_start3A_134 = tpu.memref_slice %arg2[%shift_right_arithmetic3A_123, %mul3A_127, %dma_start3A_132, %dma_start3A_133] : memref<25x128x8x128xi32, #tpu.memory_space<hbm>> -> memref<1x16x8x128xi32, #tpu.memory_space<hbm>>
          %dma_start3A_135 = tpu.memref_squeeze %dma_start3A_134 : memref<1x16x8x128xi32, #tpu.memory_space<hbm>> -> memref<16x8x128xi32, #tpu.memory_space<hbm>>
          tpu.enqueue_dma source(%dma_start3A_135 : memref<16x8x128xi32, #tpu.memory_space<hbm>>) target(%arg10 : memref<16x8x128xi32, #tpu.memory_space<vmem>>) target_semaphore(%arg14 : memref<!tpu.dma_semaphore, #tpu.memory_space<semaphore_mem>>)
        } else {
        }
        %mul3A_83 = arith.constant 32 : i32
        %mul3A_84 = arith.muli %mul3A_83, %scan3A_38 : i32
        %add3A_85 = arith.addi %add3A, %mul3A_84 : i32
        %min3A_86 = arith.constant 199 : i32
        %min3A_87 = arith.minsi %add3A_85, %min3A_86 : i32
        %shift_right_arithmetic3A_88 = arith.constant 3 : i32
        %shift_right_arithmetic3A_89 = arith.shrsi %min3A_87, %shift_right_arithmetic3A_88 : i32
        %and3A_90 = arith.constant 7 : i32
        %and3A_91 = arith.andi %min3A_87, %and3A_90 : i32
        %mul3A_92 = arith.constant 16 : i32
        %mul3A_93 = arith.muli %and3A_91, %mul3A_92 : i32
        %dma_wait3A = arith.constant 0 : i32
        %dma_wait3A_94 = arith.constant 0 : i32
        %dma_wait3A_95 = tpu.memref_slice %arg2[%shift_right_arithmetic3A_89, %mul3A_93, %dma_wait3A, %dma_wait3A_94] : memref<25x128x8x128xi32, #tpu.memory_space<hbm>> -> memref<1x16x8x128xi32, #tpu.memory_space<hbm>>
        %dma_wait3A_96 = tpu.memref_squeeze %dma_wait3A_95 : memref<1x16x8x128xi32, #tpu.memory_space<hbm>> -> memref<16x8x128xi32, #tpu.memory_space<hbm>>
        %dma_wait3A_97 = arith.constant 0 : i32
        %dma_wait3A_98 = arith.constant 0 : i32
        %dma_wait3A_99 = tpu.memref_slice %arg2[%shift_right_arithmetic3A_89, %mul3A_93, %dma_wait3A_97, %dma_wait3A_98] : memref<25x128x8x128xi32, #tpu.memory_space<hbm>> -> memref<1x16x8x128xi32, #tpu.memory_space<hbm>>
        %dma_wait3A_100 = tpu.memref_squeeze %dma_wait3A_99 : memref<1x16x8x128xi32, #tpu.memory_space<hbm>> -> memref<16x8x128xi32, #tpu.memory_space<hbm>>
        tpu.wait_dma2 semaphore(%arg13 : memref<!tpu.dma_semaphore, #tpu.memory_space<semaphore_mem>>) src(%dma_wait3A_100 : memref<16x8x128xi32, #tpu.memory_space<hbm>>) dst(%arg9 : memref<16x8x128xi32, #tpu.memory_space<vmem>>)
        %ge3A = arith.constant 2 : i32
        %ge3A_101 = arith.cmpi sge, %scan3A_38, %ge3A : i32
        %convert_element_type3A_102 = arith.extui %ge3A_101 : i1 to i32
        %cond3A_103 = arith.constant 0 : i32
        %cond3A_104 = arith.cmpi ne, %convert_element_type3A_102, %cond3A_103 : i32
        scf.if %cond3A_104 {
          %sub3A = arith.constant 2 : i32
          %sub3A_115 = arith.subi %scan3A_38, %sub3A : i32
          %mul3A_116 = arith.constant 32 : i32
          %mul3A_117 = arith.muli %mul3A_116, %sub3A_115 : i32
          %add3A_118 = arith.addi %add3A, %mul3A_117 : i32
          %min3A_119 = arith.constant 199 : i32
          %min3A_120 = arith.minsi %add3A_118, %min3A_119 : i32
          %shift_right_arithmetic3A_121 = arith.constant 3 : i32
          %shift_right_arithmetic3A_122 = arith.shrsi %min3A_120, %shift_right_arithmetic3A_121 : i32
          %mul3A_123 = arith.constant 8 : i32
          %mul3A_124 = arith.muli %shift_right_arithmetic3A_122, %mul3A_123 : i32
          %and3A_125 = arith.constant 7 : i32
          %and3A_126 = arith.andi %min3A_120, %and3A_125 : i32
          %mul3A_127 = arith.constant 16 : i32
          %mul3A_128 = arith.muli %and3A_126, %mul3A_127 : i32
          %dma_wait3A_129 = arith.constant 0 : i32
          %dma_wait3A_130 = tpu.memref_slice %arg5[%mul3A_124, %mul3A_128, %dma_wait3A_129] : memref<200x128x128xf32, #tpu.memory_space<hbm>> -> memref<8x16x128xf32, #tpu.memory_space<hbm>>
          %dma_wait3A_131 = arith.constant 0 : i32
          %dma_wait3A_132 = tpu.memref_slice %arg5[%mul3A_124, %mul3A_128, %dma_wait3A_131] : memref<200x128x128xf32, #tpu.memory_space<hbm>> -> memref<8x16x128xf32, #tpu.memory_space<hbm>>
          tpu.wait_dma2 semaphore(%arg15 : memref<!tpu.dma_semaphore, #tpu.memory_space<semaphore_mem>>) src(%arg11 : memref<8x16x128xf32, #tpu.memory_space<vmem>>) dst(%dma_wait3A_132 : memref<8x16x128xf32, #tpu.memory_space<hbm>>)
        } else {
        }
        %parallel_loop3A = arith.constant 0 : i32
        %parallel_loop3A_105 = arith.constant 128 : i32
        %parallel_loop3A_106 = arith.constant 1 : i32
        scf.for %parallel_loop3A_115 = %parallel_loop3A to %parallel_loop3A_105 step %parallel_loop3A_106  : i32 {
          %parallel_loop3A_116 = arith.constant 3 : i32
          %parallel_loop3A_117 = arith.shrsi %parallel_loop3A_115, %parallel_loop3A_116 : i32
          %parallel_loop3A_118 = arith.constant 7 : i32
          %parallel_loop3A_119 = arith.andi %parallel_loop3A_115, %parallel_loop3A_118 : i32
          %parallel_loop3A_120 = arith.index_cast %parallel_loop3A_117 : i32 to index
          %parallel_loop3A_121 = arith.index_cast %parallel_loop3A_119 : i32 to index
          %parallel_loop3A_122 = arith.constant 0 : index
          %parallel_loop3A_123 = tpu.vector_load %arg9[%parallel_loop3A_120, %parallel_loop3A_121, %parallel_loop3A_122] {strides = array<i32>} : memref<16x8x128xi32, #tpu.memory_space<vmem>>, vector<16xi32>,
          %parallel_loop3A_124 = tpu.vector_load_idx %arg8[%parallel_loop3A_123] : memref<112xf32, #tpu.memory_space<vmem>>[vector<16xi32>], vector<16xf32>,
          %parallel_loop3A_125 = arith.index_cast %parallel_loop3A_119 : i32 to index
          %parallel_loop3A_126 = arith.index_cast %parallel_loop3A_117 : i32 to index
          %parallel_loop3A_127 = arith.constant 0 : index
          %parallel_loop3A_128 = tpu.vector_load %arg11[%parallel_loop3A_125, %parallel_loop3A_126, %parallel_loop3A_127] {strides = array<i32>} : memref<8x16x128xf32, #tpu.memory_space<vmem>>, vector<16xf32>,
          tpu.vector_store %arg11[%parallel_loop3A_125, %parallel_loop3A_126, %parallel_loop3A_127], %parallel_loop3A_124 {strides = array<i32>} : memref<8x16x128xf32, #tpu.memory_space<vmem>>, vector<16xf32>,
          %parallel_loop3A_129 = arith.index_cast %parallel_loop3A_117 : i32 to index
          %parallel_loop3A_130 = arith.index_cast %parallel_loop3A_119 : i32 to index
          %parallel_loop3A_131 = arith.constant 16 : index
          %parallel_loop3A_132 = tpu.vector_load %arg9[%parallel_loop3A_129, %parallel_loop3A_130, %parallel_loop3A_131] {strides = array<i32>} : memref<16x8x128xi32, #tpu.memory_space<vmem>>, vector<16xi32>,
          %parallel_loop3A_133 = tpu.vector_load_idx %arg8[%parallel_loop3A_132] : memref<112xf32, #tpu.memory_space<vmem>>[vector<16xi32>], vector<16xf32>,
          %parallel_loop3A_134 = arith.index_cast %parallel_loop3A_119 : i32 to index
          %parallel_loop3A_135 = arith.index_cast %parallel_loop3A_117 : i32 to index
          %parallel_loop3A_136 = arith.constant 16 : index
          %parallel_loop3A_137 = tpu.vector_load %arg11[%parallel_loop3A_134, %parallel_loop3A_135, %parallel_loop3A_136] {strides = array<i32>} : memref<8x16x128xf32, #tpu.memory_space<vmem>>, vector<16xf32>,
          tpu.vector_store %arg11[%parallel_loop3A_134, %parallel_loop3A_135, %parallel_loop3A_136], %parallel_loop3A_133 {strides = array<i32>} : memref<8x16x128xf32, #tpu.memory_space<vmem>>, vector<16xf32>,
          %parallel_loop3A_138 = arith.index_cast %parallel_loop3A_117 : i32 to index
          %parallel_loop3A_139 = arith.index_cast %parallel_loop3A_119 : i32 to index
          %parallel_loop3A_140 = arith.constant 32 : index
          %parallel_loop3A_141 = tpu.vector_load %arg9[%parallel_loop3A_138, %parallel_loop3A_139, %parallel_loop3A_140] {strides = array<i32>} : memref<16x8x128xi32, #tpu.memory_space<vmem>>, vector<16xi32>,
          %parallel_loop3A_142 = tpu.vector_load_idx %arg8[%parallel_loop3A_141] : memref<112xf32, #tpu.memory_space<vmem>>[vector<16xi32>], vector<16xf32>,
          %parallel_loop3A_143 = arith.index_cast %parallel_loop3A_119 : i32 to index
          %parallel_loop3A_144 = arith.index_cast %parallel_loop3A_117 : i32 to index
          %parallel_loop3A_145 = arith.constant 32 : index
          %parallel_loop3A_146 = tpu.vector_load %arg11[%parallel_loop3A_143, %parallel_loop3A_144, %parallel_loop3A_145] {strides = array<i32>} : memref<8x16x128xf32, #tpu.memory_space<vmem>>, vector<16xf32>,
          tpu.vector_store %arg11[%parallel_loop3A_143, %parallel_loop3A_144, %parallel_loop3A_145], %parallel_loop3A_142 {strides = array<i32>} : memref<8x16x128xf32, #tpu.memory_space<vmem>>, vector<16xf32>,
          %parallel_loop3A_147 = arith.index_cast %parallel_loop3A_117 : i32 to index
          %parallel_loop3A_148 = arith.index_cast %parallel_loop3A_119 : i32 to index
          %parallel_loop3A_149 = arith.constant 48 : index
          %parallel_loop3A_150 = tpu.vector_load %arg9[%parallel_loop3A_147, %parallel_loop3A_148, %parallel_loop3A_149] {strides = array<i32>} : memref<16x8x128xi32, #tpu.memory_space<vmem>>, vector<16xi32>,
          %parallel_loop3A_151 = tpu.vector_load_idx %arg8[%parallel_loop3A_150] : memref<112xf32, #tpu.memory_space<vmem>>[vector<16xi32>], vector<16xf32>,
          %parallel_loop3A_152 = arith.index_cast %parallel_loop3A_119 : i32 to index
          %parallel_loop3A_153 = arith.index_cast %parallel_loop3A_117 : i32 to index
          %parallel_loop3A_154 = arith.constant 48 : index
          %parallel_loop3A_155 = tpu.vector_load %arg11[%parallel_loop3A_152, %parallel_loop3A_153, %parallel_loop3A_154] {strides = array<i32>} : memref<8x16x128xf32, #tpu.memory_space<vmem>>, vector<16xf32>,
          tpu.vector_store %arg11[%parallel_loop3A_152, %parallel_loop3A_153, %parallel_loop3A_154], %parallel_loop3A_151 {strides = array<i32>} : memref<8x16x128xf32, #tpu.memory_space<vmem>>, vector<16xf32>,
          %parallel_loop3A_156 = arith.index_cast %parallel_loop3A_117 : i32 to index
          %parallel_loop3A_157 = arith.index_cast %parallel_loop3A_119 : i32 to index
          %parallel_loop3A_158 = arith.constant 64 : index
          %parallel_loop3A_159 = tpu.vector_load %arg9[%parallel_loop3A_156, %parallel_loop3A_157, %parallel_loop3A_158] {strides = array<i32>} : memref<16x8x128xi32, #tpu.memory_space<vmem>>, vector<16xi32>,
          %parallel_loop3A_160 = tpu.vector_load_idx %arg8[%parallel_loop3A_159] : memref<112xf32, #tpu.memory_space<vmem>>[vector<16xi32>], vector<16xf32>,
          %parallel_loop3A_161 = arith.index_cast %parallel_loop3A_119 : i32 to index
          %parallel_loop3A_162 = arith.index_cast %parallel_loop3A_117 : i32 to index
          %parallel_loop3A_163 = arith.constant 64 : index
          %parallel_loop3A_164 = tpu.vector_load %arg11[%parallel_loop3A_161, %parallel_loop3A_162, %parallel_loop3A_163] {strides = array<i32>} : memref<8x16x128xf32, #tpu.memory_space<vmem>>, vector<16xf32>,
          tpu.vector_store %arg11[%parallel_loop3A_161, %parallel_loop3A_162, %parallel_loop3A_163], %parallel_loop3A_160 {strides = array<i32>} : memref<8x16x128xf32, #tpu.memory_space<vmem>>, vector<16xf32>,
          %parallel_loop3A_165 = arith.index_cast %parallel_loop3A_117 : i32 to index
          %parallel_loop3A_166 = arith.index_cast %parallel_loop3A_119 : i32 to index
          %parallel_loop3A_167 = arith.constant 80 : index
          %parallel_loop3A_168 = tpu.vector_load %arg9[%parallel_loop3A_165, %parallel_loop3A_166, %parallel_loop3A_167] {strides = array<i32>} : memref<16x8x128xi32, #tpu.memory_space<vmem>>, vector<16xi32>,
          %parallel_loop3A_169 = tpu.vector_load_idx %arg8[%parallel_loop3A_168] : memref<112xf32, #tpu.memory_space<vmem>>[vector<16xi32>], vector<16xf32>,
          %parallel_loop3A_170 = arith.index_cast %parallel_loop3A_119 : i32 to index
          %parallel_loop3A_171 = arith.index_cast %parallel_loop3A_117 : i32 to index
          %parallel_loop3A_172 = arith.constant 80 : index
          %parallel_loop3A_173 = tpu.vector_load %arg11[%parallel_loop3A_170, %parallel_loop3A_171, %parallel_loop3A_172] {strides = array<i32>} : memref<8x16x128xf32, #tpu.memory_space<vmem>>, vector<16xf32>,
          tpu.vector_store %arg11[%parallel_loop3A_170, %parallel_loop3A_171, %parallel_loop3A_172], %parallel_loop3A_169 {strides = array<i32>} : memref<8x16x128xf32, #tpu.memory_space<vmem>>, vector<16xf32>,
          %parallel_loop3A_174 = arith.index_cast %parallel_loop3A_117 : i32 to index
          %parallel_loop3A_175 = arith.index_cast %parallel_loop3A_119 : i32 to index
          %parallel_loop3A_176 = arith.constant 96 : index
          %parallel_loop3A_177 = tpu.vector_load %arg9[%parallel_loop3A_174, %parallel_loop3A_175, %parallel_loop3A_176] {strides = array<i32>} : memref<16x8x128xi32, #tpu.memory_space<vmem>>, vector<16xi32>,
          %parallel_loop3A_178 = tpu.vector_load_idx %arg8[%parallel_loop3A_177] : memref<112xf32, #tpu.memory_space<vmem>>[vector<16xi32>], vector<16xf32>,
          %parallel_loop3A_179 = arith.index_cast %parallel_loop3A_119 : i32 to index
          %parallel_loop3A_180 = arith.index_cast %parallel_loop3A_117 : i32 to index
          %parallel_loop3A_181 = arith.constant 96 : index
          %parallel_loop3A_182 = tpu.vector_load %arg11[%parallel_loop3A_179, %parallel_loop3A_180, %parallel_loop3A_181] {strides = array<i32>} : memref<8x16x128xf32, #tpu.memory_space<vmem>>, vector<16xf32>,
          tpu.vector_store %arg11[%parallel_loop3A_179, %parallel_loop3A_180, %parallel_loop3A_181], %parallel_loop3A_178 {strides = array<i32>} : memref<8x16x128xf32, #tpu.memory_space<vmem>>, vector<16xf32>,
          %parallel_loop3A_183 = arith.index_cast %parallel_loop3A_117 : i32 to index
          %parallel_loop3A_184 = arith.index_cast %parallel_loop3A_119 : i32 to index
          %parallel_loop3A_185 = arith.constant 112 : index
          %parallel_loop3A_186 = tpu.vector_load %arg9[%parallel_loop3A_183, %parallel_loop3A_184, %parallel_loop3A_185] {strides = array<i32>} : memref<16x8x128xi32, #tpu.memory_space<vmem>>, vector<16xi32>,
          %parallel_loop3A_187 = tpu.vector_load_idx %arg8[%parallel_loop3A_186] : memref<112xf32, #tpu.memory_space<vmem>>[vector<16xi32>], vector<16xf32>,
          %parallel_loop3A_188 = arith.index_cast %parallel_loop3A_119 : i32 to index
          %parallel_loop3A_189 = arith.index_cast %parallel_loop3A_117 : i32 to index
          %parallel_loop3A_190 = arith.constant 112 : index
          %parallel_loop3A_191 = tpu.vector_load %arg11[%parallel_loop3A_188, %parallel_loop3A_189, %parallel_loop3A_190] {strides = array<i32>} : memref<8x16x128xf32, #tpu.memory_space<vmem>>, vector<16xf32>,
          tpu.vector_store %arg11[%parallel_loop3A_188, %parallel_loop3A_189, %parallel_loop3A_190], %parallel_loop3A_187 {strides = array<i32>} : memref<8x16x128xf32, #tpu.memory_space<vmem>>, vector<16xf32>,
        } {sc.loop_unroll_factor = 1 : i64, sc.parallel_access}
        %mul3A_107 = arith.constant 32 : i32
        %mul3A_108 = arith.muli %mul3A_107, %scan3A_38 : i32
        %add3A_109 = arith.addi %add3A, %mul3A_108 : i32
        %lt3A_110 = arith.constant 200 : i32
        %lt3A_111 = arith.cmpi slt, %add3A_109, %lt3A_110 : i32
        %convert_element_type3A_112 = arith.extui %lt3A_111 : i1 to i32
        %cond3A_113 = arith.constant 0 : i32
        %cond3A_114 = arith.cmpi ne, %convert_element_type3A_112, %cond3A_113 : i32
        scf.if %cond3A_114 {
          %mul3A_115 = arith.constant 32 : i32
          %mul3A_116 = arith.muli %mul3A_115, %scan3A_38 : i32
          %add3A_117 = arith.addi %add3A, %mul3A_116 : i32
          %min3A_118 = arith.constant 199 : i32
          %min3A_119 = arith.minsi %add3A_117, %min3A_118 : i32
          %shift_right_arithmetic3A_120 = arith.constant 3 : i32
          %shift_right_arithmetic3A_121 = arith.shrsi %min3A_119, %shift_right_arithmetic3A_120 : i32
          %mul3A_122 = arith.constant 8 : i32
          %mul3A_123 = arith.muli %shift_right_arithmetic3A_121, %mul3A_122 : i32
          %and3A_124 = arith.constant 7 : i32
          %and3A_125 = arith.andi %min3A_119, %and3A_124 : i32
          %mul3A_126 = arith.constant 16 : i32
          %mul3A_127 = arith.muli %and3A_125, %mul3A_126 : i32
          %dma_start3A_128 = arith.constant 0 : i32
          %dma_start3A_129 = tpu.memref_slice %arg5[%mul3A_123, %mul3A_127, %dma_start3A_128] : memref<200x128x128xf32, #tpu.memory_space<hbm>> -> memref<8x16x128xf32, #tpu.memory_space<hbm>>
          %dma_start3A_130 = arith.constant 0 : i32
          %dma_start3A_131 = tpu.memref_slice %arg5[%mul3A_123, %mul3A_127, %dma_start3A_130] : memref<200x128x128xf32, #tpu.memory_space<hbm>> -> memref<8x16x128xf32, #tpu.memory_space<hbm>>
          tpu.enqueue_dma source(%arg11 : memref<8x16x128xf32, #tpu.memory_space<vmem>>) target(%dma_start3A_131 : memref<8x16x128xf32, #tpu.memory_space<hbm>>) target_semaphore(%arg15 : memref<!tpu.dma_semaphore, #tpu.memory_space<semaphore_mem>>)
        } else {
        }
      } else {
      }
      %jit3A_55 = arith.constant 2 : i32
      %eq3A_56 = arith.constant 0 : i32
      %eq3A_57 = arith.cmpi eq, %jit3A_55, %eq3A_56 : i32
      %jit3A_58 = arith.constant 1 : i32
      %select_n3A_59 = arith.select %eq3A_57, %jit3A_58, %jit3A_55 : i32
      %rem3A_60 = arith.remsi %scan3A_38, %select_n3A_59 : i32
      %ne3A_61 = arith.constant 0 : i32
      %ne3A_62 = arith.cmpi ne, %rem3A_60, %ne3A_61 : i32
      %lt3A_63 = arith.constant 0 : i32
      %lt3A_64 = arith.cmpi slt, %rem3A_60, %lt3A_63 : i32
      %lt3A_65 = arith.constant 0 : i32
      %lt3A_66 = arith.cmpi slt, %select_n3A_59, %lt3A_65 : i32
      %ne3A_67 = arith.xori %lt3A_64, %lt3A_66 : i1
      %and3A_68 = arith.andi %ne3A_67, %ne3A_62 : i1
      %add3A_69 = arith.addi %rem3A_60, %select_n3A_59 : i32
      %select_n3A_70 = arith.select %and3A_68, %add3A_69, %rem3A_60 : i32
      %eq3A_71 = arith.constant 1 : i32
      %eq3A_72 = arith.cmpi eq, %select_n3A_70, %eq3A_71 : i32
      %convert_element_type3A_73 = arith.extui %eq3A_72 : i1 to i32
      %cond3A_74 = arith.constant 0 : i32
      %cond3A_75 = arith.cmpi ne, %convert_element_type3A_73, %cond3A_74 : i32
      scf.if %cond3A_75 {
        %add3A_76 = arith.constant 1 : i32
        %add3A_77 = arith.addi %scan3A_38, %add3A_76 : i32
        %lt3A_78 = arith.constant 7 : i32
        %lt3A_79 = arith.cmpi slt, %add3A_77, %lt3A_78 : i32
        %convert_element_type3A_80 = arith.extui %lt3A_79 : i1 to i32
        %cond3A_81 = arith.constant 0 : i32
        %cond3A_82 = arith.cmpi ne, %convert_element_type3A_80, %cond3A_81 : i32
        scf.if %cond3A_82 {
          %add3A_115 = arith.constant 1 : i32
          %add3A_116 = arith.addi %scan3A_38, %add3A_115 : i32
          %mul3A_117 = arith.constant 32 : i32
          %mul3A_118 = arith.muli %mul3A_117, %add3A_116 : i32
          %add3A_119 = arith.addi %add3A, %mul3A_118 : i32
          %min3A_120 = arith.constant 199 : i32
          %min3A_121 = arith.minsi %add3A_119, %min3A_120 : i32
          %shift_right_arithmetic3A_122 = arith.constant 3 : i32
          %shift_right_arithmetic3A_123 = arith.shrsi %min3A_121, %shift_right_arithmetic3A_122 : i32
          %and3A_124 = arith.constant 7 : i32
          %and3A_125 = arith.andi %min3A_121, %and3A_124 : i32
          %mul3A_126 = arith.constant 16 : i32
          %mul3A_127 = arith.muli %and3A_125, %mul3A_126 : i32
          %dma_start3A_128 = arith.constant 0 : i32
          %dma_start3A_129 = arith.constant 0 : i32
          %dma_start3A_130 = tpu.memref_slice %arg2[%shift_right_arithmetic3A_123, %mul3A_127, %dma_start3A_128, %dma_start3A_129] : memref<25x128x8x128xi32, #tpu.memory_space<hbm>> -> memref<1x16x8x128xi32, #tpu.memory_space<hbm>>
          %dma_start3A_131 = tpu.memref_squeeze %dma_start3A_130 : memref<1x16x8x128xi32, #tpu.memory_space<hbm>> -> memref<16x8x128xi32, #tpu.memory_space<hbm>>
          %dma_start3A_132 = arith.constant 0 : i32
          %dma_start3A_133 = arith.constant 0 : i32
          %dma_start3A_134 = tpu.memref_slice %arg2[%shift_right_arithmetic3A_123, %mul3A_127, %dma_start3A_132, %dma_start3A_133] : memref<25x128x8x128xi32, #tpu.memory_space<hbm>> -> memref<1x16x8x128xi32, #tpu.memory_space<hbm>>
          %dma_start3A_135 = tpu.memref_squeeze %dma_start3A_134 : memref<1x16x8x128xi32, #tpu.memory_space<hbm>> -> memref<16x8x128xi32, #tpu.memory_space<hbm>>
          tpu.enqueue_dma source(%dma_start3A_135 : memref<16x8x128xi32, #tpu.memory_space<hbm>>) target(%arg9 : memref<16x8x128xi32, #tpu.memory_space<vmem>>) target_semaphore(%arg13 : memref<!tpu.dma_semaphore, #tpu.memory_space<semaphore_mem>>)
        } else {
        }
        %mul3A_83 = arith.constant 32 : i32
        %mul3A_84 = arith.muli %mul3A_83, %scan3A_38 : i32
        %add3A_85 = arith.addi %add3A, %mul3A_84 : i32
        %min3A_86 = arith.constant 199 : i32
        %min3A_87 = arith.minsi %add3A_85, %min3A_86 : i32
        %shift_right_arithmetic3A_88 = arith.constant 3 : i32
        %shift_right_arithmetic3A_89 = arith.shrsi %min3A_87, %shift_right_arithmetic3A_88 : i32
        %and3A_90 = arith.constant 7 : i32
        %and3A_91 = arith.andi %min3A_87, %and3A_90 : i32
        %mul3A_92 = arith.constant 16 : i32
        %mul3A_93 = arith.muli %and3A_91, %mul3A_92 : i32
        %dma_wait3A = arith.constant 0 : i32
        %dma_wait3A_94 = arith.constant 0 : i32
        %dma_wait3A_95 = tpu.memref_slice %arg2[%shift_right_arithmetic3A_89, %mul3A_93, %dma_wait3A, %dma_wait3A_94] : memref<25x128x8x128xi32, #tpu.memory_space<hbm>> -> memref<1x16x8x128xi32, #tpu.memory_space<hbm>>
        %dma_wait3A_96 = tpu.memref_squeeze %dma_wait3A_95 : memref<1x16x8x128xi32, #tpu.memory_space<hbm>> -> memref<16x8x128xi32, #tpu.memory_space<hbm>>
        %dma_wait3A_97 = arith.constant 0 : i32
        %dma_wait3A_98 = arith.constant 0 : i32
        %dma_wait3A_99 = tpu.memref_slice %arg2[%shift_right_arithmetic3A_89, %mul3A_93, %dma_wait3A_97, %dma_wait3A_98] : memref<25x128x8x128xi32, #tpu.memory_space<hbm>> -> memref<1x16x8x128xi32, #tpu.memory_space<hbm>>
        %dma_wait3A_100 = tpu.memref_squeeze %dma_wait3A_99 : memref<1x16x8x128xi32, #tpu.memory_space<hbm>> -> memref<16x8x128xi32, #tpu.memory_space<hbm>>
        tpu.wait_dma2 semaphore(%arg14 : memref<!tpu.dma_semaphore, #tpu.memory_space<semaphore_mem>>) src(%dma_wait3A_100 : memref<16x8x128xi32, #tpu.memory_space<hbm>>) dst(%arg10 : memref<16x8x128xi32, #tpu.memory_space<vmem>>)
        %ge3A = arith.constant 2 : i32
        %ge3A_101 = arith.cmpi sge, %scan3A_38, %ge3A : i32
        %convert_element_type3A_102 = arith.extui %ge3A_101 : i1 to i32
        %cond3A_103 = arith.constant 0 : i32
        %cond3A_104 = arith.cmpi ne, %convert_element_type3A_102, %cond3A_103 : i32
        scf.if %cond3A_104 {
          %sub3A = arith.constant 2 : i32
          %sub3A_115 = arith.subi %scan3A_38, %sub3A : i32
          %mul3A_116 = arith.constant 32 : i32
          %mul3A_117 = arith.muli %mul3A_116, %sub3A_115 : i32
          %add3A_118 = arith.addi %add3A, %mul3A_117 : i32
          %min3A_119 = arith.constant 199 : i32
          %min3A_120 = arith.minsi %add3A_118, %min3A_119 : i32
          %shift_right_arithmetic3A_121 = arith.constant 3 : i32
          %shift_right_arithmetic3A_122 = arith.shrsi %min3A_120, %shift_right_arithmetic3A_121 : i32
          %mul3A_123 = arith.constant 8 : i32
          %mul3A_124 = arith.muli %shift_right_arithmetic3A_122, %mul3A_123 : i32
          %and3A_125 = arith.constant 7 : i32
          %and3A_126 = arith.andi %min3A_120, %and3A_125 : i32
          %mul3A_127 = arith.constant 16 : i32
          %mul3A_128 = arith.muli %and3A_126, %mul3A_127 : i32
          %dma_wait3A_129 = arith.constant 0 : i32
          %dma_wait3A_130 = tpu.memref_slice %arg5[%mul3A_124, %mul3A_128, %dma_wait3A_129] : memref<200x128x128xf32, #tpu.memory_space<hbm>> -> memref<8x16x128xf32, #tpu.memory_space<hbm>>
          %dma_wait3A_131 = arith.constant 0 : i32
          %dma_wait3A_132 = tpu.memref_slice %arg5[%mul3A_124, %mul3A_128, %dma_wait3A_131] : memref<200x128x128xf32, #tpu.memory_space<hbm>> -> memref<8x16x128xf32, #tpu.memory_space<hbm>>
          tpu.wait_dma2 semaphore(%arg16 : memref<!tpu.dma_semaphore, #tpu.memory_space<semaphore_mem>>) src(%arg12 : memref<8x16x128xf32, #tpu.memory_space<vmem>>) dst(%dma_wait3A_132 : memref<8x16x128xf32, #tpu.memory_space<hbm>>)
        } else {
        }
        %parallel_loop3A = arith.constant 0 : i32
        %parallel_loop3A_105 = arith.constant 128 : i32
        %parallel_loop3A_106 = arith.constant 1 : i32
        scf.for %parallel_loop3A_115 = %parallel_loop3A to %parallel_loop3A_105 step %parallel_loop3A_106  : i32 {
          %parallel_loop3A_116 = arith.constant 3 : i32
          %parallel_loop3A_117 = arith.shrsi %parallel_loop3A_115, %parallel_loop3A_116 : i32
          %parallel_loop3A_118 = arith.constant 7 : i32
          %parallel_loop3A_119 = arith.andi %parallel_loop3A_115, %parallel_loop3A_118 : i32
          %parallel_loop3A_120 = arith.index_cast %parallel_loop3A_117 : i32 to index
          %parallel_loop3A_121 = arith.index_cast %parallel_loop3A_119 : i32 to index
          %parallel_loop3A_122 = arith.constant 0 : index
          %parallel_loop3A_123 = tpu.vector_load %arg10[%parallel_loop3A_120, %parallel_loop3A_121, %parallel_loop3A_122] {strides = array<i32>} : memref<16x8x128xi32, #tpu.memory_space<vmem>>, vector<16xi32>,
          %parallel_loop3A_124 = tpu.vector_load_idx %arg8[%parallel_loop3A_123] : memref<112xf32, #tpu.memory_space<vmem>>[vector<16xi32>], vector<16xf32>,
          %parallel_loop3A_125 = arith.index_cast %parallel_loop3A_119 : i32 to index
          %parallel_loop3A_126 = arith.index_cast %parallel_loop3A_117 : i32 to index
          %parallel_loop3A_127 = arith.constant 0 : index
          %parallel_loop3A_128 = tpu.vector_load %arg12[%parallel_loop3A_125, %parallel_loop3A_126, %parallel_loop3A_127] {strides = array<i32>} : memref<8x16x128xf32, #tpu.memory_space<vmem>>, vector<16xf32>,
          tpu.vector_store %arg12[%parallel_loop3A_125, %parallel_loop3A_126, %parallel_loop3A_127], %parallel_loop3A_124 {strides = array<i32>} : memref<8x16x128xf32, #tpu.memory_space<vmem>>, vector<16xf32>,
          %parallel_loop3A_129 = arith.index_cast %parallel_loop3A_117 : i32 to index
          %parallel_loop3A_130 = arith.index_cast %parallel_loop3A_119 : i32 to index
          %parallel_loop3A_131 = arith.constant 16 : index
          %parallel_loop3A_132 = tpu.vector_load %arg10[%parallel_loop3A_129, %parallel_loop3A_130, %parallel_loop3A_131] {strides = array<i32>} : memref<16x8x128xi32, #tpu.memory_space<vmem>>, vector<16xi32>,
          %parallel_loop3A_133 = tpu.vector_load_idx %arg8[%parallel_loop3A_132] : memref<112xf32, #tpu.memory_space<vmem>>[vector<16xi32>], vector<16xf32>,
          %parallel_loop3A_134 = arith.index_cast %parallel_loop3A_119 : i32 to index
          %parallel_loop3A_135 = arith.index_cast %parallel_loop3A_117 : i32 to index
          %parallel_loop3A_136 = arith.constant 16 : index
          %parallel_loop3A_137 = tpu.vector_load %arg12[%parallel_loop3A_134, %parallel_loop3A_135, %parallel_loop3A_136] {strides = array<i32>} : memref<8x16x128xf32, #tpu.memory_space<vmem>>, vector<16xf32>,
          tpu.vector_store %arg12[%parallel_loop3A_134, %parallel_loop3A_135, %parallel_loop3A_136], %parallel_loop3A_133 {strides = array<i32>} : memref<8x16x128xf32, #tpu.memory_space<vmem>>, vector<16xf32>,
          %parallel_loop3A_138 = arith.index_cast %parallel_loop3A_117 : i32 to index
          %parallel_loop3A_139 = arith.index_cast %parallel_loop3A_119 : i32 to index
          %parallel_loop3A_140 = arith.constant 32 : index
          %parallel_loop3A_141 = tpu.vector_load %arg10[%parallel_loop3A_138, %parallel_loop3A_139, %parallel_loop3A_140] {strides = array<i32>} : memref<16x8x128xi32, #tpu.memory_space<vmem>>, vector<16xi32>,
          %parallel_loop3A_142 = tpu.vector_load_idx %arg8[%parallel_loop3A_141] : memref<112xf32, #tpu.memory_space<vmem>>[vector<16xi32>], vector<16xf32>,
          %parallel_loop3A_143 = arith.index_cast %parallel_loop3A_119 : i32 to index
          %parallel_loop3A_144 = arith.index_cast %parallel_loop3A_117 : i32 to index
          %parallel_loop3A_145 = arith.constant 32 : index
          %parallel_loop3A_146 = tpu.vector_load %arg12[%parallel_loop3A_143, %parallel_loop3A_144, %parallel_loop3A_145] {strides = array<i32>} : memref<8x16x128xf32, #tpu.memory_space<vmem>>, vector<16xf32>,
          tpu.vector_store %arg12[%parallel_loop3A_143, %parallel_loop3A_144, %parallel_loop3A_145], %parallel_loop3A_142 {strides = array<i32>} : memref<8x16x128xf32, #tpu.memory_space<vmem>>, vector<16xf32>,
          %parallel_loop3A_147 = arith.index_cast %parallel_loop3A_117 : i32 to index
          %parallel_loop3A_148 = arith.index_cast %parallel_loop3A_119 : i32 to index
          %parallel_loop3A_149 = arith.constant 48 : index
          %parallel_loop3A_150 = tpu.vector_load %arg10[%parallel_loop3A_147, %parallel_loop3A_148, %parallel_loop3A_149] {strides = array<i32>} : memref<16x8x128xi32, #tpu.memory_space<vmem>>, vector<16xi32>,
          %parallel_loop3A_151 = tpu.vector_load_idx %arg8[%parallel_loop3A_150] : memref<112xf32, #tpu.memory_space<vmem>>[vector<16xi32>], vector<16xf32>,
          %parallel_loop3A_152 = arith.index_cast %parallel_loop3A_119 : i32 to index
          %parallel_loop3A_153 = arith.index_cast %parallel_loop3A_117 : i32 to index
          %parallel_loop3A_154 = arith.constant 48 : index
          %parallel_loop3A_155 = tpu.vector_load %arg12[%parallel_loop3A_152, %parallel_loop3A_153, %parallel_loop3A_154] {strides = array<i32>} : memref<8x16x128xf32, #tpu.memory_space<vmem>>, vector<16xf32>,
          tpu.vector_store %arg12[%parallel_loop3A_152, %parallel_loop3A_153, %parallel_loop3A_154], %parallel_loop3A_151 {strides = array<i32>} : memref<8x16x128xf32, #tpu.memory_space<vmem>>, vector<16xf32>,
          %parallel_loop3A_156 = arith.index_cast %parallel_loop3A_117 : i32 to index
          %parallel_loop3A_157 = arith.index_cast %parallel_loop3A_119 : i32 to index
          %parallel_loop3A_158 = arith.constant 64 : index
          %parallel_loop3A_159 = tpu.vector_load %arg10[%parallel_loop3A_156, %parallel_loop3A_157, %parallel_loop3A_158] {strides = array<i32>} : memref<16x8x128xi32, #tpu.memory_space<vmem>>, vector<16xi32>,
          %parallel_loop3A_160 = tpu.vector_load_idx %arg8[%parallel_loop3A_159] : memref<112xf32, #tpu.memory_space<vmem>>[vector<16xi32>], vector<16xf32>,
          %parallel_loop3A_161 = arith.index_cast %parallel_loop3A_119 : i32 to index
          %parallel_loop3A_162 = arith.index_cast %parallel_loop3A_117 : i32 to index
          %parallel_loop3A_163 = arith.constant 64 : index
          %parallel_loop3A_164 = tpu.vector_load %arg12[%parallel_loop3A_161, %parallel_loop3A_162, %parallel_loop3A_163] {strides = array<i32>} : memref<8x16x128xf32, #tpu.memory_space<vmem>>, vector<16xf32>,
          tpu.vector_store %arg12[%parallel_loop3A_161, %parallel_loop3A_162, %parallel_loop3A_163], %parallel_loop3A_160 {strides = array<i32>} : memref<8x16x128xf32, #tpu.memory_space<vmem>>, vector<16xf32>,
          %parallel_loop3A_165 = arith.index_cast %parallel_loop3A_117 : i32 to index
          %parallel_loop3A_166 = arith.index_cast %parallel_loop3A_119 : i32 to index
          %parallel_loop3A_167 = arith.constant 80 : index
          %parallel_loop3A_168 = tpu.vector_load %arg10[%parallel_loop3A_165, %parallel_loop3A_166, %parallel_loop3A_167] {strides = array<i32>} : memref<16x8x128xi32, #tpu.memory_space<vmem>>, vector<16xi32>,
          %parallel_loop3A_169 = tpu.vector_load_idx %arg8[%parallel_loop3A_168] : memref<112xf32, #tpu.memory_space<vmem>>[vector<16xi32>], vector<16xf32>,
          %parallel_loop3A_170 = arith.index_cast %parallel_loop3A_119 : i32 to index
          %parallel_loop3A_171 = arith.index_cast %parallel_loop3A_117 : i32 to index
          %parallel_loop3A_172 = arith.constant 80 : index
          %parallel_loop3A_173 = tpu.vector_load %arg12[%parallel_loop3A_170, %parallel_loop3A_171, %parallel_loop3A_172] {strides = array<i32>} : memref<8x16x128xf32, #tpu.memory_space<vmem>>, vector<16xf32>,
          tpu.vector_store %arg12[%parallel_loop3A_170, %parallel_loop3A_171, %parallel_loop3A_172], %parallel_loop3A_169 {strides = array<i32>} : memref<8x16x128xf32, #tpu.memory_space<vmem>>, vector<16xf32>,
          %parallel_loop3A_174 = arith.index_cast %parallel_loop3A_117 : i32 to index
          %parallel_loop3A_175 = arith.index_cast %parallel_loop3A_119 : i32 to index
          %parallel_loop3A_176 = arith.constant 96 : index
          %parallel_loop3A_177 = tpu.vector_load %arg10[%parallel_loop3A_174, %parallel_loop3A_175, %parallel_loop3A_176] {strides = array<i32>} : memref<16x8x128xi32, #tpu.memory_space<vmem>>, vector<16xi32>,
          %parallel_loop3A_178 = tpu.vector_load_idx %arg8[%parallel_loop3A_177] : memref<112xf32, #tpu.memory_space<vmem>>[vector<16xi32>], vector<16xf32>,
          %parallel_loop3A_179 = arith.index_cast %parallel_loop3A_119 : i32 to index
          %parallel_loop3A_180 = arith.index_cast %parallel_loop3A_117 : i32 to index
          %parallel_loop3A_181 = arith.constant 96 : index
          %parallel_loop3A_182 = tpu.vector_load %arg12[%parallel_loop3A_179, %parallel_loop3A_180, %parallel_loop3A_181] {strides = array<i32>} : memref<8x16x128xf32, #tpu.memory_space<vmem>>, vector<16xf32>,
          tpu.vector_store %arg12[%parallel_loop3A_179, %parallel_loop3A_180, %parallel_loop3A_181], %parallel_loop3A_178 {strides = array<i32>} : memref<8x16x128xf32, #tpu.memory_space<vmem>>, vector<16xf32>,
          %parallel_loop3A_183 = arith.index_cast %parallel_loop3A_117 : i32 to index
          %parallel_loop3A_184 = arith.index_cast %parallel_loop3A_119 : i32 to index
          %parallel_loop3A_185 = arith.constant 112 : index
          %parallel_loop3A_186 = tpu.vector_load %arg10[%parallel_loop3A_183, %parallel_loop3A_184, %parallel_loop3A_185] {strides = array<i32>} : memref<16x8x128xi32, #tpu.memory_space<vmem>>, vector<16xi32>,
          %parallel_loop3A_187 = tpu.vector_load_idx %arg8[%parallel_loop3A_186] : memref<112xf32, #tpu.memory_space<vmem>>[vector<16xi32>], vector<16xf32>,
          %parallel_loop3A_188 = arith.index_cast %parallel_loop3A_119 : i32 to index
          %parallel_loop3A_189 = arith.index_cast %parallel_loop3A_117 : i32 to index
          %parallel_loop3A_190 = arith.constant 112 : index
          %parallel_loop3A_191 = tpu.vector_load %arg12[%parallel_loop3A_188, %parallel_loop3A_189, %parallel_loop3A_190] {strides = array<i32>} : memref<8x16x128xf32, #tpu.memory_space<vmem>>, vector<16xf32>,
          tpu.vector_store %arg12[%parallel_loop3A_188, %parallel_loop3A_189, %parallel_loop3A_190], %parallel_loop3A_187 {strides = array<i32>} : memref<8x16x128xf32, #tpu.memory_space<vmem>>, vector<16xf32>,
        } {sc.loop_unroll_factor = 1 : i64, sc.parallel_access}
        %mul3A_107 = arith.constant 32 : i32
        %mul3A_108 = arith.muli %mul3A_107, %scan3A_38 : i32
        %add3A_109 = arith.addi %add3A, %mul3A_108 : i32
        %lt3A_110 = arith.constant 200 : i32
        %lt3A_111 = arith.cmpi slt, %add3A_109, %lt3A_110 : i32
        %convert_element_type3A_112 = arith.extui %lt3A_111 : i1 to i32
        %cond3A_113 = arith.constant 0 : i32
        %cond3A_114 = arith.cmpi ne, %convert_element_type3A_112, %cond3A_113 : i32
        scf.if %cond3A_114 {
          %mul3A_115 = arith.constant 32 : i32
          %mul3A_116 = arith.muli %mul3A_115, %scan3A_38 : i32
          %add3A_117 = arith.addi %add3A, %mul3A_116 : i32
          %min3A_118 = arith.constant 199 : i32
          %min3A_119 = arith.minsi %add3A_117, %min3A_118 : i32
          %shift_right_arithmetic3A_120 = arith.constant 3 : i32
          %shift_right_arithmetic3A_121 = arith.shrsi %min3A_119, %shift_right_arithmetic3A_120 : i32
          %mul3A_122 = arith.constant 8 : i32
          %mul3A_123 = arith.muli %shift_right_arithmetic3A_121, %mul3A_122 : i32
          %and3A_124 = arith.constant 7 : i32
          %and3A_125 = arith.andi %min3A_119, %and3A_124 : i32
          %mul3A_126 = arith.constant 16 : i32
          %mul3A_127 = arith.muli %and3A_125, %mul3A_126 : i32
          %dma_start3A_128 = arith.constant 0 : i32
          %dma_start3A_129 = tpu.memref_slice %arg5[%mul3A_123, %mul3A_127, %dma_start3A_128] : memref<200x128x128xf32, #tpu.memory_space<hbm>> -> memref<8x16x128xf32, #tpu.memory_space<hbm>>
          %dma_start3A_130 = arith.constant 0 : i32
          %dma_start3A_131 = tpu.memref_slice %arg5[%mul3A_123, %mul3A_127, %dma_start3A_130] : memref<200x128x128xf32, #tpu.memory_space<hbm>> -> memref<8x16x128xf32, #tpu.memory_space<hbm>>
          tpu.enqueue_dma source(%arg12 : memref<8x16x128xf32, #tpu.memory_space<vmem>>) target(%dma_start3A_131 : memref<8x16x128xf32, #tpu.memory_space<hbm>>) target_semaphore(%arg16 : memref<!tpu.dma_semaphore, #tpu.memory_space<semaphore_mem>>)
        } else {
        }
      } else {
      }
    }
    %scan3A_26 = arith.constant 7 : i32
    %add3A_27 = arith.constant 160 : i32
    %add3A_28 = arith.addi %add3A, %add3A_27 : i32
    %lt3A = arith.constant 200 : i32
    %lt3A_29 = arith.cmpi slt, %add3A_28, %lt3A : i32
    %convert_element_type3A = arith.extui %lt3A_29 : i1 to i32
    %cond3A = arith.constant 0 : i32
    %cond3A_30 = arith.cmpi ne, %convert_element_type3A, %cond3A : i32
    scf.if %cond3A_30 {
      %add3A_38 = arith.constant 160 : i32
      %add3A_39 = arith.addi %add3A, %add3A_38 : i32
      %min3A_40 = arith.constant 199 : i32
      %min3A_41 = arith.minsi %add3A_39, %min3A_40 : i32
      %shift_right_arithmetic3A_42 = arith.constant 3 : i32
      %shift_right_arithmetic3A_43 = arith.shrsi %min3A_41, %shift_right_arithmetic3A_42 : i32
      %mul3A_44 = arith.constant 8 : i32
      %mul3A_45 = arith.muli %shift_right_arithmetic3A_43, %mul3A_44 : i32
      %and3A_46 = arith.constant 7 : i32
      %and3A_47 = arith.andi %min3A_41, %and3A_46 : i32
      %mul3A_48 = arith.constant 16 : i32
      %mul3A_49 = arith.muli %and3A_47, %mul3A_48 : i32
      %dma_wait3A = arith.constant 0 : i32
      %dma_wait3A_50 = tpu.memref_slice %arg5[%mul3A_45, %mul3A_49, %dma_wait3A] : memref<200x128x128xf32, #tpu.memory_space<hbm>> -> memref<8x16x128xf32, #tpu.memory_space<hbm>>
      %dma_wait3A_51 = arith.constant 0 : i32
      %dma_wait3A_52 = tpu.memref_slice %arg5[%mul3A_45, %mul3A_49, %dma_wait3A_51] : memref<200x128x128xf32, #tpu.memory_space<hbm>> -> memref<8x16x128xf32, #tpu.memory_space<hbm>>
      tpu.wait_dma2 semaphore(%arg16 : memref<!tpu.dma_semaphore, #tpu.memory_space<semaphore_mem>>) src(%arg12 : memref<8x16x128xf32, #tpu.memory_space<vmem>>) dst(%dma_wait3A_52 : memref<8x16x128xf32, #tpu.memory_space<hbm>>)
    } else {
    }
    %add3A_31 = arith.constant 192 : i32
    %add3A_32 = arith.addi %add3A, %add3A_31 : i32
    %lt3A_33 = arith.constant 200 : i32
    %lt3A_34 = arith.cmpi slt, %add3A_32, %lt3A_33 : i32
    %convert_element_type3A_35 = arith.extui %lt3A_34 : i1 to i32
    %cond3A_36 = arith.constant 0 : i32
    %cond3A_37 = arith.cmpi ne, %convert_element_type3A_35, %cond3A_36 : i32
    scf.if %cond3A_37 {
      %add3A_38 = arith.constant 192 : i32
      %add3A_39 = arith.addi %add3A, %add3A_38 : i32
      %min3A_40 = arith.constant 199 : i32
      %min3A_41 = arith.minsi %add3A_39, %min3A_40 : i32
      %shift_right_arithmetic3A_42 = arith.constant 3 : i32
      %shift_right_arithmetic3A_43 = arith.shrsi %min3A_41, %shift_right_arithmetic3A_42 : i32
      %mul3A_44 = arith.constant 8 : i32
      %mul3A_45 = arith.muli %shift_right_arithmetic3A_43, %mul3A_44 : i32
      %and3A_46 = arith.constant 7 : i32
      %and3A_47 = arith.andi %min3A_41, %and3A_46 : i32
      %mul3A_48 = arith.constant 16 : i32
      %mul3A_49 = arith.muli %and3A_47, %mul3A_48 : i32
      %dma_wait3A = arith.constant 0 : i32
      %dma_wait3A_50 = tpu.memref_slice %arg5[%mul3A_45, %mul3A_49, %dma_wait3A] : memref<200x128x128xf32, #tpu.memory_space<hbm>> -> memref<8x16x128xf32, #tpu.memory_space<hbm>>
      %dma_wait3A_51 = arith.constant 0 : i32
      %dma_wait3A_52 = tpu.memref_slice %arg5[%mul3A_45, %mul3A_49, %dma_wait3A_51] : memref<200x128x128xf32, #tpu.memory_space<hbm>> -> memref<8x16x128xf32, #tpu.memory_space<hbm>>
      tpu.wait_dma2 semaphore(%arg15 : memref<!tpu.dma_semaphore, #tpu.memory_space<semaphore_mem>>) src(%arg11 : memref<8x16x128xf32, #tpu.memory_space<vmem>>) dst(%dma_wait3A_52 : memref<8x16x128xf32, #tpu.memory_space<hbm>>)
    } else {
    }
    return
  }
}

</mosaic_0001>

<sc_bundles>
// kernel: _run.3.cloned.1.call-start
scs
__scs_entry_jumppad:
0x0: {  	(pc) =	sbr.rel $0x88, $3  }
0x1: {  	(tag) =	ssettag $0x0;
	lr =	simm.s32 $0x1  }
0x2: {  	[smem:$0x3F9E] =	sst lr;
	_ =	strace $0xD0000000  }
0x3: {  	_ = 	snop  }
0x4: {  	_ = 	snop  }
0x5: {  	_ = 	snop  }
0x6: {  	_ = 	snop  }
0x7: {  	_ = 	snop  }
__scs_overlays_trampoline_lowered:
0x8: {  	[smem:$0x3FAD] =	sst s0  }
0x9: {  	[smem:$0x3FAE] =	sst s1  }
0xa: {  	[smem:$0x3FAF] =	sst s2  }
0xb: {  	[smem:$0x3FB0] =	sst s3  }
0xc: {  	[smem:$0x3FB1] =	sst s4  }
0xd: {  	[smem:$0x3FB2] =	sst s5  }
0xe: {  	[smem:$0x3FB3] =	sst s6  }
0xf: {  	[smem:$0x3FB4] =	sst s7  }
0x10: {  	[smem:$0x3FB5] =	sst s8  }
0x11: {  	[smem:$0x3FB6] =	sst s9;
	s0 =	simm.s32 @!p0 $0x0  }
0x12: {  	s1 =	sld [smem:$0x3F9C];
	s0 =	simm.s32 @p0 $0x1  }
0x13: {  	[smem:$0x3FB7] =	sst s0;
	s0 =	simm.s32 @!p1 $0x0  }
0x14: {  	s2 =	sld [smem:$0x3F9B];
	s0 =	simm.s32 @p1 $0x1  }
0x15: {  	[smem:$0x3FB8] =	sst s0;
	s0 =	simm.s32 @!p2 $0x0  }
0x16: {  	s3 =	sld [smem:$0x3FDB];
	s0 =	simm.s32 @p2 $0x1  }
0x17: {  	s4 =	simm.s32 $0x1BF5;
	[smem:$0x3FBA] =	sst s0  }
0x18: {  	s0 =	sld [smem:$0x3F9D];
	_ =	swait.ge [sflag:s4], $0x0  }
0x19: {  	s7 =	sld [smem:$0x3F9E]  }
0x1a: {  	s8 =	sadd.s32 $0xFFFFE003, lr  }
0x1b: {  	s9 =	sadd.s32 $0xFFFFFEF7, lr;
	s5 =	simm.s32 $0xFFFFFFFF;
	p2 =	slt.u32 s8, $0xFFFFF086  }
0x1c: {  	p1 =	slt.u32 s9, $0xF7A;
	s5 =	simm.s32 @!p2 $0x0  }
0x1d: {  	s5 =	simm.s32 @p1 $0x1;
	p0 =	seq.s32 s7, s2  }
0x1e: {  	s7 =	smul.u32 @!p0 $0xF7A, s2;
	p2 =	seq.s32 @!p0 s5, $0x0  }
0x1f: {  	s9 =	smul.u32 $0xF7A, s1;
	s8 =	simm.s32 @!p0 $0x1BF5;
	p2 =	por !p2, p0  }
0x20: {  	[sflag:s8] =	ssyncset.s32 @!p0 $0xFFFFF086;
	s6 =	sadd.s32 @!p0 s3, s7;
	s7 =	simm.s32 @!p0 $0x108  }
0x21: {  	s3 =	sadd.s32 s3, s9;
	s6 =	sadd.s32 @!p0 $0x88, s6;
	s7 =	simm.s32 @p2 $0x1082  }
0x22: {  	[simem:s7], [sflag:s8] =	dma.local @!p0 [hbm:s6], $0xF7A  }
0x23: {  	s9 =	sor.u32 $0xD0000000, s2;
	s6 =	simm.s32 $0x108;
	_ =	swait.ge @!p0 [sflag:s8], $0x0  }
0x24: {  	s3 =	sadd.s32 $0x88, s3;
	s6 =	simm.s32 @!p1 $0x1082;
	[sflag:s4] =	ssyncset.s32 $0xFFFFF086  }
0x25: {  	[simem:s6], [sflag:s4] =	dma.local [hbm:s3], $0xF7A  }
0x26: {  	[smem:$0x3F9E] =	sst s1;
	(tag) =	ssettag s2;
	_ =	strace s9  }
0x27: {  	s1 =	sld [smem:$0x3FAE]  }
0x28: {  	s2 =	sld [smem:$0x3FAF]  }
0x29: {  	s4 =	sld [smem:$0x3FB1]  }
0x2a: {  	p0 =	seq.s32 s5, $0x0;
	s5 =	sld [smem:$0x3FB2]  }
0x2b: {  	s6 =	sld [smem:$0x3FB3]  }
0x2c: {  	s7 =	sld [smem:$0x3FB4]  }
0x2d: {  	s3 =	simm.s32 $0x108;
	s8 =	sld [smem:$0x3FB5]  }
0x2e: {  	s3 =	simm.s32 @!p0 $0x1082;
	s9 =	sld [smem:$0x3FB6]  }
0x2f: {  	lr =	sadd.s32 s0, s3;
	s0 =	sld [smem:$0x3FAD]  }
0x30: {  	s3 =	sld [smem:$0x3FB0]  }
0x31: {  	[smem:$0x3FB9] =	sst s10  }
0x32: {  	s10 =	sld [smem:$0x3FB7];
	_ =	sdelay $0x3  }
0x33: {  	p0 =	seq.s32 s10, $0x1;
	s10 =	sld [smem:$0x3FB9];
	_ =	sdelay $0x3  }
0x34: {  	[smem:$0x3FB9] =	sst s10  }
0x35: {  	s10 =	sld [smem:$0x3FB8];
	_ =	sdelay $0x3  }
0x36: {  	p1 =	seq.s32 s10, $0x1;
	s10 =	sld [smem:$0x3FB9];
	_ =	sdelay $0x3  }
0x37: {  	[smem:$0x3FB9] =	sst s10  }
0x38: {  	s10 =	sld [smem:$0x3FBA]  }
0x39: {  	_ = 	snop;
	(pc) =	sbr.ind lr, $3  }
0x3a: {  	_ = 	snop  }
0x3b: {  	_ = 	snop  }
0x3c: {  	p2 =	seq.s32 s10, $0x1;
	s10 =	sld [smem:$0x3FB9]  }
0x3d: {  	_ =	shalt  }
0x3e: {  	_ =	shalt  }
0x3f: {  	_ =	shalt  }
0x40: {  	_ =	shalt  }
0x41: {  	_ =	shalt  }
0x42: {  	_ =	shalt  }
0x43: {  	_ =	shalt  }
0x44: {  	_ =	shalt  }
0x45: {  	_ =	shalt  }
0x46: {  	_ =	shalt  }
0x47: {  	_ =	shalt  }
0x48: {  	_ =	shalt  }
0x49: {  	_ =	shalt  }
0x4a: {  	_ =	shalt  }
0x4b: {  	_ =	shalt  }
0x4c: {  	_ =	shalt  }
0x4d: {  	_ =	shalt  }
0x4e: {  	_ =	shalt  }
0x4f: {  	_ =	shalt  }
0x50: {  	_ =	shalt  }
0x51: {  	_ =	shalt  }
0x52: {  	_ =	shalt  }
0x53: {  	_ =	shalt  }
0x54: {  	_ =	shalt  }
0x55: {  	_ =	shalt  }
0x56: {  	_ =	shalt  }
0x57: {  	_ =	shalt  }
0x58: {  	_ =	shalt  }
0x59: {  	_ =	shalt  }
0x5a: {  	_ =	shalt  }
0x5b: {  	_ =	shalt  }
0x5c: {  	_ =	shalt  }
0x5d: {  	_ =	shalt  }
0x5e: {  	_ =	shalt  }
0x5f: {  	_ =	shalt  }
0x60: {  	_ =	shalt  }
0x61: {  	_ =	shalt  }
0x62: {  	_ =	shalt  }
0x63: {  	_ =	shalt  }
0x64: {  	_ =	shalt  }
0x65: {  	_ =	shalt  }
0x66: {  	_ =	shalt  }
0x67: {  	_ =	shalt  }
0x68: {  	_ =	shalt  }
0x69: {  	_ =	shalt  }
0x6a: {  	_ =	shalt  }
0x6b: {  	_ =	shalt  }
0x6c: {  	_ =	shalt  }
0x6d: {  	_ =	shalt  }
0x6e: {  	_ =	shalt  }
0x6f: {  	_ =	shalt  }
0x70: {  	_ =	shalt  }
0x71: {  	_ =	shalt  }
0x72: {  	_ =	shalt  }
0x73: {  	_ =	shalt  }
0x74: {  	_ =	shalt  }
0x75: {  	_ =	shalt  }
0x76: {  	_ =	shalt  }
0x77: {  	_ =	shalt  }
0x78: {  	_ =	shalt  }
0x79: {  	_ =	shalt  }
0x7a: {  	_ =	shalt  }
0x7b: {  	_ =	shalt  }
0x7c: {  	_ =	shalt  }
0x7d: {  	_ =	shalt  }
0x7e: {  	_ =	shalt  }
0x7f: {  	_ =	shalt  }
0x80: {  	_ =	shalt  }
0x81: {  	_ =	shalt  }
0x82: {  	_ =	shalt  }
0x83: {  	_ =	shalt  }
0x84: {  	_ =	shalt  }
0x85: {  	_ =	shalt  }
0x86: {  	_ =	shalt  }
0x87: {  	_ =	shalt  }
.Lfunc_end0:
.L_simem_size_0:
called_computation_lowered:
.L_overlay_start_0:
0x88: {  	s2 =	sld [smem:$0x3FD9]  }
0x89: {  	s3 =	sld [smem:$0x3FFE];
	_ =	sdelay $0x1  }
0x8a: {  	s1 =	srdreg.scid  }
0x8b: {  	s0 =	sand.u32 $0x1, s1  }
0x8c: {  	s18 =	sshll.u32 s0, $0xA;
	s2 =	sadd.s32 s3, s2  }
0x8d: {  	s2 =	sadd.s32 s2, s18  }
0x8e: {  	[smem:$0x3FC5] =	sst s2  }
0x8f: {  	_ = 	snop  }
0x90: {  	s2 =	sld [smem:$0x3FC9]  }
0x91: {  	s19 =	sld [smem:$0x3FC8]  }
0x92: {  	s4 =	sld [smem:$0x3FC7]  }
0x93: {  	s5 =	sld [smem:$0x3FD0];
	(tm) =	ssettm $0x1  }
0x94: {  	s6 =	sld [smem:$0x3FFB];
	_ =	sdelay $0x3  }
0x95: {  	_ =	strace s6  }
0x96: {  	s6 =	sld [smem:$0x3FFC];
	_ =	sdelay $0x3  }
0x97: {  	_ =	strace s6  }
0x98: {  	s6 =	sld [smem:$0x3FFD];
	_ =	sdelay $0x3  }
0x99: {  	_ =	strace s6  }
0x9a: {  	_ =	strace $0x8FFFFFFF  }
0x9b: {  	s20 =	sld [smem:$0x3FDB];
	_ =	sdelay $0x1  }
0x9c: {  	s7 =	simm.s32 $_scs_section_size  }
0x9d: {  	s8 =	simm.s32 $_size__tile_overlayer_lowered;
	s9 =	simm.s32 $_tile_overlayer_lowered  }
0x9e: {  	s23 =	simm.s32 $0x1BFF;
	s22 =	sshll.u32 s9, $0x1;
	s6 =	sadd.s32 s7, s20  }
0x9f: {  	s10 =	simm.s32 $0x0;
	s21 =	sshll.u32 s8, $0x1;
	s8 =	sadd.s32 s22, s6  }
0xa0: {  	[timem:s10], [sflag:s23] =	dma.local [hbm:s8], s21  }
0xa1: {  	_ =	swait.ge [sflag:s23], s21  }
0xa2: {  	s7 =	ssub.s32 $0x0, s21;
	[sflag:s23] =	ssyncset.done $0x0  }
0xa3: {  	[sflag:s23] =	ssyncadd.s32 s7;
	_ =	sdelay $0x1  }
0xa4: {  	s24 =	simm.s32 $0x1B8B  }
0xa5: {  	_ =	swait.ge [sflag:s24], $0x1  }
0xa6: {  	[sflag:s24] =	ssyncset.done $0x0  }
0xa7: {  	s25 =	simm.s32 $0x1B8E;
	[sflag:s24] =	ssyncadd.s32 $0xFFFFFFFF  }
0xa8: {  	s26 =	simm.s32 $execute0_lowered;
	[smem:$0x3FD2] =	sst s25  }
0xa9: {  	s7 =	sshll.u32 s26, $0x1;
	_ =	strace $0x80000046;
	[dreg:$0x1] =	wrdreg $0xFFFFFFFF  }
0xaa: {  	s28 =	simm.s32 $_size_execute0_lowered;
	s6 =	sadd.s32 s6, s7;
	[dreg:$0x0] =	wrdreg $0x0  }
0xab: {  	s7 =	sshll.u32 s28, $0x1;
	[dreg:$0x2] =	wrdreg s6  }
0xac: {  	[dreg:$0x3] =	wrdreg s7  }
0xad: {  	[dreg:$0x4] =	wrdreg $0xC0  }
0xae: {  	_ =	task [dreg:s10], $0x5FFFF  }
0xaf: {  	[dreg:$0x1] =	wrdreg $0xFFFFFFFF  }
0xb0: {  	[dreg:$0x0] =	wrdreg $0x60  }
0xb1: {  	[dreg:$0x2] =	wrdreg s2  }
0xb2: {  	[dreg:$0x3] =	wrdreg s19  }
0xb3: {  	[dreg:$0x4] =	wrdreg s4  }
0xb4: {  	[dreg:$0x5] =	wrdreg s5  }
0xb5: {  	[dreg:$0x6] =	wrdreg $0x9  }
0xb6: {  	_ =	task.clear_ibuf [dreg:s10], $0x7FFFF;
	_ =	strace $0x90000046  }
0xb7: {  	s29 =	simm.s32 $0x9;
	_ =	strace $0x80000048  }
0xb8: {  	_ =	swait.ge [sflag:s29], $0x1  }
0xb9: {  	[sflag:s29] =	ssyncadd.s32 $0xFFFFFFFF  }
0xba: {  	_ =	strace $0x90000048  }
0xbb: {  	_ =	sfence  }
0xbc: {  	s30 =	sld [smem:$0x0];
	_ =	sdelay $0x2  }
0xbd: {  	s31 =	sshll.u32 s1, $0xD;
	s1 =	sshrl.u32 s1, $0x2  }
0xbe: {  	s3 =	sand.u32 $0x4000, s31;
	s1 =	sadd.s32 s1, s30  }
0xbf: {  	s0 =	sor.u32 s3, s0;
	s1 =	sshll.u32 s1, $0x11  }
0xc0: {  	s0 =	sor.u32 s1, s0  }
0xc1: {  	s0 =	sadd.s32 $0x8F2B, s0  }
0xc2: {  	[sflag:s0] =	ssyncadd.remote.s32 $0x1  }
0xc3: {  	_ =	sfence.sel $0xFFFF  }
0xc4: {  	[dreg:$0x0] =	wrdreg $0xFFFFFFFF;
	(pc) =	sbr.abs _section_cstart, $3  }
0xc5: {  	[dreg:$0x1] =	wrdreg $0xFFFFFFFF  }
0xc6: {  	_ =	task.clear_ibuf [dreg:s10], $0x2FFFF;
	_ =	strace $0x9FFFFFFF  }
0xc7: {  	(tm) =	ssettm $0x7FFFFFFF  }
tec
execute0_lowered:
.L_overlay_start_1:
0x0: {  	(tag) =	ssettag $0x1  }
0x1: {  	s1 =	rddreg [dreg:$0x0]  }
0x2: {  	s5 =	rddreg [dreg:$0x3]  }
0x3: {  	s0 =	srdreg.scid;
	s8 =	stileid.u32  }
0x4: {  	s6 =	simm.s32 $0x0;
	s14 =	simm.s32 $0x2;
	s15 =	simm.s32 $0x580  }
0x5: {  	v0 =	vlaneseq.u32;
	s17 =	simm.s32 $0x1;
	s0 =	sand.u32 $0x1, s0;
	s3 =	sshll.u32 s8, $0x1  }
.Ltmp0:
0x6: {  	v0 =	vmul.u32 $0xA, v0;
	s2 =	ssub.s32 $0x2, s0;
	s7 =	sor.u32 s0, s3;
	(pc) =	sbr.rel .LBB2_1-.Ltmp0, $4  }
0x7: {  	s18 =	simm.s32 $0x0;
	s4 =	sshrl.u32 s2, $0x1;
	s31 =	sshll.u32 s7, $0xB  }
0x8: {  	[smem:$0x7FF] =	sst s6;
	v1 =	vor.u32 $0x1, v0;
	v2 =	vadd.s32 $0x2, v0;
	v3 =	vadd.s32 $0x3, v0;
	s30 =	ssub.s32 s2, s4;
	s2 =	sadd.s32 s1, s31  }
0x9: {  	_ =	strace $0x80000047;
	v4 =	vadd.s32 $0x4, v0;
	v5 =	vadd.s32 $0x5, v0;
	v6 =	vadd.s32 $0x6, v0;
	[dreg:$0x5] =	wrdreg s2;
	s0 =	smax.u32 s30, $0x1  }
0xa: {  	p0 =	sgt.u32 s8, $0x3;
	s9 =	sor.u32 $0x20, s7;
	v7 =	vadd.s32 $0x7, v0;
	v8 =	vadd.s32 $0x8, v0;
	v9 =	vadd.s32 $0x9, v0;
	[dreg:$0x6] =	wrdreg s0  }
.LBB2_12:
0xb: {  	s0 =	simm.s32 $0x4  }
0xc: {  	_ =	swait.ge [sflag:s0], $0x4000  }
0xd: {  	[sflag:s0] =	ssyncset.done $0x0  }
0xe: {  	[sflag:s0] =	ssyncadd.s32 $0xFFFFC000;
	s0 =	simm.s32 @!p0 $0x3  }
0xf: {  	_ =	swait.ge @!p0 [sflag:s0], $0x4000  }
0x10: {  	s18 =	sadd.s32 $0x1, s18;
	s2 =	rddreg [dreg:$0x6]  }
0x11: {  	p1 =	sne.s32 s18, s2  }
.Ltmp1:
0x12: {  	_ = 	snop;
	(pc) =	sbr.rel @!p1 .LBB2_13-.Ltmp1, $3  }
0x13: {  	_ =	sdelay $0x1  }
0x14: {  	[sflag:s0] =	ssyncset.done @!p0 $0x0  }
0x15: {  	[sflag:s0] =	ssyncadd.s32 @!p0 $0xFFFFC000  }
.LBB2_1:
0x16: {  	s0 =	rddreg [dreg:$0x5];
	s2 =	simm.s32 $0x600  }
0x17: {  	[tilespmem:s2], [sflag:$0x1] =	stream.linear.gather [hbm4b:s0+s6], $0x4000, $0x38;
	[tilespmem:$0x10600] =	vst v63  }
0x18: {  	s26 =	rddreg [dreg:$0x1];
	s28 =	simm.s32 $0x5  }
0x19: {  	v10 =	vmov s6;
	[tilespmem:s6], [sflag:$0x5] =	stream.linear.gather [hbm4b:s26+s6], $0x480, $0x38;
	[tilespmem:$0x10600] =	vst v63  }
0x1a: {  	v10 =	vmul.u32 $0xA, v10;
	_ =	swait.ge [sflag:s28], $0x480  }
0x1b: {  	[sflag:s28] =	ssyncset.done $0x0  }
0x1c: {  	v11 =	vbroadcast v10, $0x0;
	[sflag:s28] =	ssyncadd.s32 $0xFFFFFB80  }
0x1d: {  	s3 =	simm.s32 $0x480;
	s29 =	rddreg [dreg:$0x2]  }
0x1e: {  	v12 =	vadd.s32 v0, v11;
	[tilespmem:s3], [sflag:$0x5] =	stream.linear.gather [hbm4b:s29+s6], $0x100, $0x38;
	[tilespmem:$0x10600] =	vst v63  }
0x1f: {  	_ =	swait.ge [sflag:s28], $0x100  }
0x20: {  	v13 =	vadd.s32 v1, v11;
	[sflag:s28] =	ssyncset.done $0x0  }
0x21: {  	[sflag:s28] =	ssyncadd.s32 $0xFFFFFF00  }
0x22: {  	v14 =	vadd.s32 v2, v11;
	v10 =	vld [tilespmem:$0x520]  }
0x23: {  	v12 =	vld.idx.msk [tilespmem:v12+s6+$0x0], $0xffff  }
0x24: {  	v16 =	vadd.s32 v3, v11;
	v15 =	vld [tilespmem:$0x480]  }
0x25: {  	v13 =	vld.idx.msk [tilespmem:v13+s6+$0x0], $0xffff  }
0x26: {  	v18 =	vadd.s32 v4, v11;
	v17 =	vld [tilespmem:$0x490]  }
0x27: {  	v14 =	vld.idx.msk [tilespmem:v14+s6+$0x0], $0xffff  }
0x28: {  	v20 =	vadd.s32 v5, v11;
	v19 =	vld [tilespmem:$0x4A0]  }
0x29: {  	v12 =	vmul.f32 v15, v12;
	v15 =	vld.idx.msk [tilespmem:v16+s6+$0x0], $0xffff  }
0x2a: {  	v21 =	vadd.s32 v6, v11;
	v16 =	vld [tilespmem:$0x4B0]  }
0x2b: {  	v13 =	vmul.f32 v17, v13;
	v17 =	vld.idx.msk [tilespmem:v18+s6+$0x0], $0xffff;
	v12 =	vadd.f32 v12, v10  }
0x2c: {  	v22 =	vadd.s32 v7, v11;
	v18 =	vld [tilespmem:$0x4C0]  }
0x2d: {  	v12 =	vadd.f32 v13, v12;
	v13 =	vmul.f32 v19, v14;
	v14 =	vld.idx.msk [tilespmem:v20+s6+$0x0], $0xffff  }
0x2e: {  	v19 =	vld [tilespmem:$0x4D0];
	v20 =	vadd.s32 v8, v11  }
0x2f: {  	v12 =	vadd.f32 v13, v12;
	v13 =	vmul.f32 v16, v15;
	v15 =	vld.idx.msk [tilespmem:v21+s6+$0x0], $0xffff  }
0x30: {  	v11 =	vadd.s32 v9, v11;
	v16 =	vld [tilespmem:$0x4E0]  }
0x31: {  	v12 =	vadd.f32 v13, v12;
	v13 =	vmul.f32 v18, v17;
	v17 =	vld.idx.msk [tilespmem:v22+s6+$0x0], $0xffff  }
0x32: {  	v18 =	vld [tilespmem:$0x4F0]  }
0x33: {  	v12 =	vadd.f32 v13, v12;
	v13 =	vmul.f32 v19, v14;
	v14 =	vld.idx.msk [tilespmem:v20+s6+$0x0], $0xffff  }
0x34: {  	v19 =	vld [tilespmem:$0x500]  }
0x35: {  	s30 =	simm.s32 $0x10;
	v11 =	vld.idx.msk [tilespmem:v11+s6+$0x0], $0xffff;
	v12 =	vadd.f32 v13, v12;
	v13 =	vmul.f32 v16, v15  }
0x36: {  	v15 =	vmov s30;
	v16 =	vld [tilespmem:$0x510]  }
0x37: {  	v15 =	vmul.u32 $0xA, v15;
	v12 =	vadd.f32 v13, v12;
	v13 =	vmul.f32 v18, v17;
	_ =	sdelay $0x1  }
0x38: {  	v15 =	vbroadcast v15, $0x0;
	v12 =	vadd.f32 v13, v12;
	v13 =	vmul.f32 v19, v14;
	_ =	sdelay $0x1  }
0x39: {  	v14 =	vadd.s32 v0, v15;
	v11 =	vmul.f32 v16, v11;
	v12 =	vadd.f32 v13, v12;
	_ =	sdelay $0x1  }
0x3a: {  	v13 =	vadd.s32 v1, v15;
	v11 =	vadd.f32 v11, v12;
	_ =	sdelay $0x1  }
0x3b: {  	[tilespmem:s15+$0x0] =	vst v11  }
0x3c: {  	v12 =	vadd.s32 v2, v15;
	v11 =	vld.idx.msk [tilespmem:v14+s6+$0x0], $0xffff  }
0x3d: {  	v16 =	vadd.s32 v3, v15;
	v14 =	vld [tilespmem:$0x480]  }
0x3e: {  	v13 =	vld.idx.msk [tilespmem:v13+s6+$0x0], $0xffff  }
0x3f: {  	v18 =	vadd.s32 v4, v15;
	v17 =	vld [tilespmem:$0x490]  }
0x40: {  	v19 =	vld [tilespmem:$0x4A0]  }
0x41: {  	v20 =	vadd.s32 v5, v15;
	v12 =	vld.idx.msk [tilespmem:v12+s6+$0x0], $0xffff  }
0x42: {  	v16 =	vld.idx.msk [tilespmem:v16+s6+$0x0], $0xffff;
	v11 =	vmul.f32 v14, v11  }
0x43: {  	v62 =	vadd.s32 v6, v15;
	v14 =	vld [tilespmem:$0x4B0]  }
0x44: {  	v18 =	vld.idx.msk [tilespmem:v18+s6+$0x0], $0xffff;
	v13 =	vmul.f32 v17, v13;
	v11 =	vadd.f32 v11, v10  }
0x45: {  	v63 =	vadd.s32 v7, v15;
	v17 =	vld [tilespmem:$0x4C0]  }
0x46: {  	v20 =	vld.idx.msk [tilespmem:v20+s6+$0x0], $0xffff;
	v12 =	vmul.f32 v19, v12;
	v11 =	vadd.f32 v13, v11  }
0x47: {  	v23 =	vadd.s32 v8, v15;
	v19 =	vld [tilespmem:$0x4D0]  }
0x48: {  	v21 =	vld.idx.msk [tilespmem:v62+s6+$0x0], $0xffff;
	v13 =	vmul.f32 v14, v16;
	v12 =	vadd.f32 v12, v11  }
0x49: {  	v16 =	vld [tilespmem:$0x4E0];
	v14 =	vadd.s32 v9, v15  }
0x4a: {  	v17 =	vmul.f32 v17, v18;
	v11 =	vld.idx.msk [tilespmem:v63+s6+$0x0], $0xffff;
	v15 =	vadd.f32 v13, v12  }
0x4b: {  	v13 =	vld [tilespmem:$0x4F0]  }
0x4c: {  	v18 =	vmul.f32 v19, v20;
	v12 =	vld.idx.msk [tilespmem:v23+s6+$0x0], $0xffff;
	v17 =	vadd.f32 v17, v15  }
0x4d: {  	v15 =	vld [tilespmem:$0x500]  }
0x4e: {  	s31 =	simm.s32 $0x20;
	v14 =	vld.idx.msk [tilespmem:v14+s6+$0x0], $0xffff;
	v17 =	vadd.f32 v18, v17;
	v18 =	vmul.f32 v16, v21  }
0x4f: {  	s2 =	simm.s32 $0x30;
	s0 =	simm.s32 $0x580;
	v19 =	vmov s31;
	v16 =	vld [tilespmem:$0x510]  }
.LBB2_2:
0x50: {  	p1 =	sne.s32 s2, $0x60;
	v19 =	vmul.u32 $0xA, v19;
	v17 =	vadd.f32 v18, v17;
	v11 =	vmul.f32 v13, v11;
	_ =	sdelay $0x1  }
0x51: {  	v13 =	vbroadcast v19, $0x0;
	v11 =	vadd.f32 v11, v17;
	v12 =	vmul.f32 v15, v12;
	_ =	sdelay $0x1  }
0x52: {  	v15 =	vadd.s32 v0, v13;
	v11 =	vadd.f32 v12, v11;
	v12 =	vmul.f32 v16, v14;
	_ =	sdelay $0x1  }
0x53: {  	v14 =	vadd.s32 v1, v13;
	v11 =	vadd.f32 v12, v11  }
0x54: {  	s0 =	sadd.s32 $0x10, s0  }
0x55: {  	s19 =	simm.s32 $0x0;
	v12 =	vadd.s32 v2, v13;
	[tilespmem:s0+$0x0] =	vst v11  }
0x56: {  	v11 =	vld.idx.msk [tilespmem:v15+s19+$0x0], $0xffff  }
0x57: {  	v16 =	vadd.s32 v3, v13;
	v15 =	vld [tilespmem:$0x480]  }
0x58: {  	v14 =	vld.idx.msk [tilespmem:v14+s19+$0x0], $0xffff  }
0x59: {  	v18 =	vadd.s32 v4, v13;
	v17 =	vld [tilespmem:$0x490]  }
0x5a: {  	v12 =	vld.idx.msk [tilespmem:v12+s19+$0x0], $0xffff  }
0x5b: {  	v20 =	vadd.s32 v5, v13;
	v19 =	vld [tilespmem:$0x4A0]  }
0x5c: {  	v11 =	vmul.f32 v15, v11;
	v15 =	vld.idx.msk [tilespmem:v16+s19+$0x0], $0xffff  }
0x5d: {  	v21 =	vadd.s32 v6, v13;
	v16 =	vld [tilespmem:$0x4B0]  }
0x5e: {  	v11 =	vadd.f32 v11, v10;
	v14 =	vmul.f32 v17, v14;
	v17 =	vld.idx.msk [tilespmem:v18+s19+$0x0], $0xffff  }
0x5f: {  	v22 =	vadd.s32 v7, v13;
	v18 =	vld [tilespmem:$0x4C0]  }
0x60: {  	v11 =	vadd.f32 v14, v11;
	v12 =	vmul.f32 v19, v12;
	v14 =	vld.idx.msk [tilespmem:v20+s19+$0x0], $0xffff  }
0x61: {  	v20 =	vadd.s32 v8, v13;
	v19 =	vld [tilespmem:$0x4D0]  }
0x62: {  	v11 =	vadd.f32 v12, v11;
	v12 =	vmul.f32 v16, v15;
	v16 =	vld.idx.msk [tilespmem:v21+s19+$0x0], $0xffff  }
0x63: {  	v23 =	vadd.s32 v9, v13;
	v21 =	vld [tilespmem:$0x4E0]  }
0x64: {  	v12 =	vadd.f32 v12, v11;
	v15 =	vmul.f32 v18, v17;
	v11 =	vld.idx.msk [tilespmem:v22+s19+$0x0], $0xffff  }
.Ltmp2:
0x65: {  	v13 =	vld [tilespmem:$0x4F0];
	(pc) =	sbr.rel @p1 .LBB2_2-.Ltmp2, $4  }
0x66: {  	v17 =	vadd.f32 v15, v12;
	v14 =	vmul.f32 v19, v14;
	v12 =	vld.idx.msk [tilespmem:v20+s19+$0x0], $0xffff  }
0x67: {  	v15 =	vld [tilespmem:$0x500]  }
0x68: {  	v17 =	vadd.f32 v14, v17;
	v18 =	vmul.f32 v21, v16;
	v14 =	vld.idx.msk [tilespmem:v23+s19+$0x0], $0xffff  }
0x69: {  	v19 =	vmov s2;
	s2 =	sadd.s32 $0x10, s2;
	v16 =	vld [tilespmem:$0x510]  }
0x6a: {  	v19 =	vmul.u32 $0xA, v19;
	v17 =	vadd.f32 v18, v17;
	v11 =	vmul.f32 v13, v11;
	_ =	sdelay $0x1  }
0x6b: {  	v39 =	vbroadcast v19, $0x0;
	v11 =	vadd.f32 v11, v17;
	v12 =	vmul.f32 v15, v12;
	_ =	sdelay $0x1  }
0x6c: {  	v40 =	vadd.s32 v0, v39;
	v11 =	vadd.f32 v12, v11;
	v41 =	vmul.f32 v16, v14;
	_ =	sdelay $0x1  }
0x6d: {  	v42 =	vadd.s32 v1, v39;
	v11 =	vadd.f32 v41, v11  }
0x6e: {  	s0 =	sadd.s32 $0x10, s0  }
0x6f: {  	v43 =	vadd.s32 v2, v39;
	[tilespmem:s0+$0x0] =	vst v11  }
0x70: {  	v11 =	vld.idx.msk [tilespmem:v40+s19+$0x0], $0xffff  }
0x71: {  	v45 =	vadd.s32 v3, v39;
	v44 =	vld [tilespmem:$0x480]  }
0x72: {  	v14 =	vld.idx.msk [tilespmem:v42+s19+$0x0], $0xffff  }
0x73: {  	v47 =	vadd.s32 v4, v39;
	v46 =	vld [tilespmem:$0x490]  }
0x74: {  	v12 =	vld.idx.msk [tilespmem:v43+s19+$0x0], $0xffff  }
0x75: {  	v20 =	vadd.s32 v5, v39;
	v48 =	vld [tilespmem:$0x4A0]  }
0x76: {  	v49 =	vld.idx.msk [tilespmem:v45+s19+$0x0], $0xffff;
	v11 =	vmul.f32 v44, v11  }
0x77: {  	v21 =	vadd.s32 v6, v39;
	v50 =	vld [tilespmem:$0x4B0]  }
0x78: {  	v51 =	vld.idx.msk [tilespmem:v47+s19+$0x0], $0xffff;
	v10 =	vadd.f32 v11, v10;
	v11 =	vmul.f32 v46, v14  }
0x79: {  	v53 =	vadd.s32 v7, v39;
	v52 =	vld [tilespmem:$0x4C0]  }
0x7a: {  	v54 =	vld.idx.msk [tilespmem:v20+s19+$0x0], $0xffff;
	v10 =	vadd.f32 v11, v10;
	v11 =	vmul.f32 v48, v12  }
0x7b: {  	v56 =	vadd.s32 v8, v39;
	v55 =	vld [tilespmem:$0x4D0]  }
0x7c: {  	v57 =	vld.idx.msk [tilespmem:v21+s19+$0x0], $0xffff;
	v10 =	vadd.f32 v11, v10;
	v11 =	vmul.f32 v50, v49  }
0x7d: {  	v13 =	vadd.s32 v9, v39;
	v58 =	vld [tilespmem:$0x4E0]  }
0x7e: {  	v59 =	vld.idx.msk [tilespmem:v53+s19+$0x0], $0xffff;
	v10 =	vadd.f32 v11, v10;
	v11 =	vmul.f32 v52, v51  }
0x7f: {  	v60 =	vld [tilespmem:$0x4F0]  }
0x80: {  	v61 =	vld.idx.msk [tilespmem:v56+s19+$0x0], $0xffff;
	v10 =	vadd.f32 v11, v10;
	v11 =	vmul.f32 v55, v54  }
0x81: {  	v62 =	vld [tilespmem:$0x500]  }
0x82: {  	v13 =	vld.idx.msk [tilespmem:v13+s19+$0x0], $0xffff;
	v10 =	vadd.f32 v11, v10;
	v11 =	vmul.f32 v58, v57  }
0x83: {  	v63 =	vld [tilespmem:$0x510]  }
0x84: {  	v10 =	vadd.f32 v11, v10;
	v11 =	vmul.f32 v60, v59;
	_ =	sdelay $0x1  }
0x85: {  	v10 =	vadd.f32 v11, v10;
	v11 =	vmul.f32 v62, v61;
	_ =	sdelay $0x1  }
.Ltmp3:
0x86: {  	v10 =	vadd.f32 v11, v10;
	v11 =	vmul.f32 v63, v13;
	(pc) =	sbr.rel .LBB2_4-.Ltmp3, $4  }
0x87: {  	_ = 	snop  }
0x88: {  	v10 =	vadd.f32 v11, v10  }
0x89: {  	s0 =	sadd.s32 $0x10, s0  }
0x8a: {  	[tilespmem:s0+$0x0] =	vst v10  }
.LBB2_11:
0x8b: {  	s19 =	sadd.s32 $0x1, s19  }
0x8c: {  	p1 =	sne.s32 s19, $0x7  }
.Ltmp4:
0x8d: {  	_ = 	snop;
	(pc) =	sbr.rel @!p1 .LBB2_12-.Ltmp4, $1  }
0x8e: {  	_ =	sdelay $0x3  }
.LBB2_4:
0x8f: {  	s20 =	sand.u32 $0x1, s19  }
0x90: {  	p1 =	seq.s32 s20, $0x1  }
.Ltmp5:
0x91: {  	_ = 	snop;
	(pc) =	sbr.rel @p1 .LBB2_8-.Ltmp5, $1  }
0x92: {  	_ =	sdelay $0x3  }
0x93: {  	p1 =	seq.s32 s19, $0x6  }
0x94: {  	s2 =	sshll.u32 @!p1 s19, $0x5  }
0x95: {  	s0 =	sor.u32 @!p1 s9, s2  }
0x96: {  	s0 =	smin.u32 @!p1 s0, $0xC7  }
0x97: {  	s0 =	sshll.u32 @!p1 s0, $0xB  }
0x98: {  	s3 =	simm.s32 @!p1 $0x0;
	s4 =	simm.s32 @!p1 $0x4600;
	s0 =	sadd.s32 @!p1 s1, s0  }
0x99: {  	[tilespmem:s4], [sflag:$0x2] =	stream.linear.gather @!p1 [hbm4b:s0+s3], $0x4000, $0x38;
	[tilespmem:$0x10600] =	vst v63  }
0x9a: {  	_ =	swait.ge [sflag:s17], $0x4000  }
0x9b: {  	p2 =	slt.u32 s19, $0x2;
	[sflag:s17] =	ssyncset.done $0x0  }
0x9c: {  	s11 =	simm.s32 $0x0;
	s0 =	simm.s32 @!p2 $0x3;
	[sflag:s17] =	ssyncadd.s32 $0xFFFFC000  }
0x9d: {  	s13 =	simm.s32 $0x0;
	s12 =	sand.u32 $0x7, s11;
	_ =	swait.ge @!p2 [sflag:s0], $0x4000  }
0x9e: {  	s8 =	sshll.u32 s12, $0x7;
	s3 =	sand.u32 $0x3FFFFC00, s13;
	[sflag:s0] =	ssyncset.done @!p2 $0x0  }
0x9f: {  	s3 =	sor.u32 s8, s3;
	[sflag:s0] =	ssyncadd.s32 @!p2 $0xFFFFC000  }
0xa0: {  	v10 =	vld [tilespmem:s3+$0x600];
	_ =	sdelay $0x7  }
0xa1: {  	v10 =	vld.idx.msk [tilespmem:v10+s15+$0x0], $0xffff;
	_ =	sdelay $0x1  }
0xa2: {  	s16 =	simm.s32 $0x0  }
0xa3: {  	s21 =	simm.s32 $0x1;
	s4 =	sshll.u32 s12, $0xB;
	s0 =	sand.u32 $0x3FFFFF80, s16  }
0xa4: {  	s10 =	simm.s32 $0x80;
	s8 =	sand.u32 $0x7, s21;
	s21 =	sadd.s32 s0, s4  }
0xa5: {  	s22 =	sand.u32 $0x3FFFFC00, s10;
	s23 =	sshll.u32 s8, $0x7;
	[tilespmem:s21+$0x8600] =	vst v10  }
0xa6: {  	s23 =	sor.u32 s23, s22;
	v10 =	vld [tilespmem:s3+$0x610]  }
0xa7: {  	v11 =	vld [tilespmem:s23+$0x600];
	_ =	sdelay $0x6  }
0xa8: {  	v10 =	vld.idx.msk [tilespmem:v10+s15+$0x0], $0xffff  }
0xa9: {  	v11 =	vld.idx.msk [tilespmem:v11+s15+$0x0], $0xffff;
	_ =	sdelay $0x1  }
0xaa: {  	s24 =	simm.s32 $0x10  }
0xab: {  	s25 =	simm.s32 $0x2;
	s8 =	sshll.u32 s8, $0xB;
	s0 =	sand.u32 $0x3FFFFF80, s24  }
0xac: {  	s26 =	simm.s32 $0x100;
	s4 =	sand.u32 $0x7, s25;
	s22 =	sadd.s32 s0, s8;
	[tilespmem:s21+$0x8610] =	vst v10  }
0xad: {  	s8 =	sand.u32 $0x3FFFFC00, s26;
	s10 =	sshll.u32 s4, $0x7;
	[tilespmem:s22+$0x8600] =	vst v11;
	v10 =	vld [tilespmem:s3+$0x620]  }
0xae: {  	s25 =	sor.u32 s10, s8;
	v11 =	vld [tilespmem:s23+$0x610]  }
0xaf: {  	v12 =	vld [tilespmem:s25+$0x600];
	_ =	sdelay $0x5  }
0xb0: {  	v10 =	vld.idx.msk [tilespmem:v10+s15+$0x0], $0xffff  }
0xb1: {  	v11 =	vld.idx.msk [tilespmem:v11+s15+$0x0], $0xffff  }
0xb2: {  	v12 =	vld.idx.msk [tilespmem:v12+s15+$0x0], $0xffff;
	_ =	sdelay $0x1  }
0xb3: {  	s11 =	simm.s32 $0x20  }
0xb4: {  	s12 =	simm.s32 $0x3;
	s4 =	sshll.u32 s4, $0xB;
	s0 =	sand.u32 $0x3FFFFF80, s11;
	[tilespmem:s21+$0x8620] =	vst v10  }
0xb5: {  	s13 =	simm.s32 $0x180;
	s8 =	sand.u32 $0x7, s12;
	s24 =	sadd.s32 s0, s4;
	[tilespmem:s22+$0x8610] =	vst v11;
	v10 =	vld [tilespmem:s3+$0x630]  }
0xb6: {  	s16 =	sand.u32 $0x3FFFFC00, s13;
	s26 =	sshll.u32 s8, $0x7;
	[tilespmem:s24+$0x8600] =	vst v12;
	v11 =	vld [tilespmem:s23+$0x620]  }
0xb7: {  	s28 =	sor.u32 s26, s16;
	v12 =	vld [tilespmem:s25+$0x610]  }
0xb8: {  	v13 =	vld [tilespmem:s28+$0x600];
	_ =	sdelay $0x4  }
0xb9: {  	v10 =	vld.idx.msk [tilespmem:v10+s15+$0x0], $0xffff  }
0xba: {  	v11 =	vld.idx.msk [tilespmem:v11+s15+$0x0], $0xffff  }
0xbb: {  	v12 =	vld.idx.msk [tilespmem:v12+s15+$0x0], $0xffff  }
0xbc: {  	v13 =	vld.idx.msk [tilespmem:v13+s15+$0x0], $0xffff;
	_ =	sdelay $0x1  }
0xbd: {  	s10 =	simm.s32 $0x30;
	[tilespmem:s21+$0x8630] =	vst v10  }
0xbe: {  	s11 =	simm.s32 $0x4;
	s8 =	sshll.u32 s8, $0xB;
	s0 =	sand.u32 $0x3FFFFF80, s10;
	[tilespmem:s22+$0x8620] =	vst v11;
	v10 =	vld [tilespmem:s3+$0x640]  }
0xbf: {  	s4 =	sand.u32 $0x7, s11;
	s12 =	simm.s32 $0x200;
	s26 =	sadd.s32 s0, s8;
	[tilespmem:s24+$0x8610] =	vst v12;
	v11 =	vld [tilespmem:s23+$0x630]  }
0xc0: {  	s13 =	sand.u32 $0x3FFFFC00, s12;
	s16 =	sshll.u32 s4, $0x7;
	[tilespmem:s26+$0x8600] =	vst v13;
	v12 =	vld [tilespmem:s25+$0x620]  }
0xc1: {  	s30 =	sor.u32 s16, s13;
	v13 =	vld [tilespmem:s28+$0x610]  }
0xc2: {  	v14 =	vld [tilespmem:s30+$0x600];
	_ =	sdelay $0x3  }
0xc3: {  	v10 =	vld.idx.msk [tilespmem:v10+s15+$0x0], $0xffff  }
0xc4: {  	s11 =	simm.s32 $0x5;
	v11 =	vld.idx.msk [tilespmem:v11+s15+$0x0], $0xffff  }
0xc5: {  	s12 =	simm.s32 $0x280;
	s8 =	sand.u32 $0x7, s11;
	v12 =	vld.idx.msk [tilespmem:v12+s15+$0x0], $0xffff  }
0xc6: {  	s13 =	sand.u32 $0x3FFFFC00, s12;
	s16 =	sshll.u32 s8, $0x7;
	v13 =	vld.idx.msk [tilespmem:v13+s15+$0x0], $0xffff  }
0xc7: {  	s31 =	sor.u32 s16, s13;
	v14 =	vld.idx.msk [tilespmem:v14+s15+$0x0], $0xffff  }
0xc8: {  	v15 =	vld [tilespmem:s31+$0x600];
	[tilespmem:s21+$0x8640] =	vst v10  }
0xc9: {  	s10 =	simm.s32 $0x40;
	[tilespmem:s22+$0x8630] =	vst v11;
	v10 =	vld [tilespmem:s3+$0x650]  }
0xca: {  	s4 =	sshll.u32 s4, $0xB;
	s0 =	sand.u32 $0x3FFFFF80, s10;
	[tilespmem:s24+$0x8620] =	vst v12;
	v11 =	vld [tilespmem:s23+$0x640]  }
0xcb: {  	s29 =	sadd.s32 s0, s4;
	[tilespmem:s26+$0x8610] =	vst v13;
	v12 =	vld [tilespmem:s25+$0x630]  }
0xcc: {  	[tilespmem:s29+$0x8600] =	vst v14;
	v13 =	vld [tilespmem:s28+$0x620]  }
0xcd: {  	v14 =	vld [tilespmem:s30+$0x610];
	_ =	sdelay $0x2  }
0xce: {  	v15 =	vld.idx.msk [tilespmem:v15+s15+$0x0], $0xffff  }
0xcf: {  	v10 =	vld.idx.msk [tilespmem:v10+s15+$0x0], $0xffff  }
0xd0: {  	s10 =	simm.s32 $0x50;
	v11 =	vld.idx.msk [tilespmem:v11+s15+$0x0], $0xffff  }
0xd1: {  	s8 =	sshll.u32 s8, $0xB;
	s0 =	sand.u32 $0x3FFFFF80, s10;
	v12 =	vld.idx.msk [tilespmem:v12+s15+$0x0], $0xffff  }
0xd2: {  	s0 =	sadd.s32 s0, s8;
	v13 =	vld.idx.msk [tilespmem:v13+s15+$0x0], $0xffff  }
0xd3: {  	[tilespmem:s0+$0x8600] =	vst v15;
	v14 =	vld.idx.msk [tilespmem:v14+s15+$0x0], $0xffff  }
0xd4: {  	v15 =	vld [tilespmem:s31+$0x610];
	[tilespmem:s21+$0x8650] =	vst v10  }
0xd5: {  	[tilespmem:s22+$0x8640] =	vst v11;
	v10 =	vld [tilespmem:s3+$0x660]  }
0xd6: {  	s11 =	simm.s32 $0x6;
	[tilespmem:s24+$0x8630] =	vst v12;
	v11 =	vld [tilespmem:s23+$0x650]  }
0xd7: {  	s11 =	sand.u32 $0x7, s11;
	s12 =	simm.s32 $0x300;
	[tilespmem:s26+$0x8620] =	vst v13;
	v12 =	vld [tilespmem:s25+$0x640]  }
0xd8: {  	s4 =	sand.u32 $0x3FFFFC00, s12;
	s13 =	sshll.u32 s11, $0x7;
	[tilespmem:s29+$0x8610] =	vst v14;
	v13 =	vld [tilespmem:s28+$0x630]  }
0xd9: {  	s4 =	sor.u32 s13, s4;
	v14 =	vld [tilespmem:s30+$0x620]  }
0xda: {  	v16 =	vld [tilespmem:s4+$0x600];
	_ =	sdelay $0x1  }
0xdb: {  	v15 =	vld.idx.msk [tilespmem:v15+s15+$0x0], $0xffff  }
0xdc: {  	v10 =	vld.idx.msk [tilespmem:v10+s15+$0x0], $0xffff  }
0xdd: {  	v11 =	vld.idx.msk [tilespmem:v11+s15+$0x0], $0xffff  }
0xde: {  	v12 =	vld.idx.msk [tilespmem:v12+s15+$0x0], $0xffff  }
0xdf: {  	v13 =	vld.idx.msk [tilespmem:v13+s15+$0x0], $0xffff  }
0xe0: {  	v17 =	vld.idx.msk [tilespmem:v14+s15+$0x0], $0xffff  }
0xe1: {  	v14 =	vld.idx.msk [tilespmem:v16+s15+$0x0], $0xffff;
	[tilespmem:s21+$0x8660] =	vst v10  }
0xe2: {  	s2 =	simm.s32 @p1 $0xC0;
	[tilespmem:s22+$0x8650] =	vst v11;
	v10 =	vld [tilespmem:s3+$0x670]  }
0xe3: {  	s2 =	sor.u32 s7, s2;
	[tilespmem:s24+$0x8640] =	vst v12;
	v11 =	vld [tilespmem:s23+$0x660]  }
0xe4: {  	s16 =	simm.s32 $0x60;
	s11 =	sshll.u32 s11, $0xB;
	s8 =	simm.s32 $0x8;
	[tilespmem:s26+$0x8630] =	vst v13;
	v12 =	vld [tilespmem:s25+$0x650]  }
0xe5: {  	s13 =	simm.s32 $0x7;
	s12 =	sand.u32 $0x3FFFFF80, s16;
	s16 =	simm.s32 $0x380;
	[tilespmem:s29+$0x8620] =	vst v17;
	v13 =	vld [tilespmem:s28+$0x640]  }
0xe6: {  	s10 =	sand.u32 $0x7, s13;
	s11 =	sadd.s32 s12, s11;
	[tilespmem:s0+$0x8610] =	vst v15;
	v15 =	vld [tilespmem:s30+$0x630];
	s3 =	smin.u32 s2, $0xC7  }
.LBB2_6:
0xe7: {  	p1 =	sne.s32 s8, $0x7F;
	s12 =	sand.u32 $0x3FFFFC00, s16;
	s16 =	sshll.u32 s10, $0x7;
	[tilespmem:s11+$0x8600] =	vst v14;
	v14 =	vld [tilespmem:s31+$0x620]  }
0xe8: {  	s12 =	sor.u32 s16, s12;
	v16 =	vld [tilespmem:s4+$0x610]  }
0xe9: {  	v17 =	vld [tilespmem:s12+$0x600]  }
0xea: {  	v10 =	vld.idx.msk [tilespmem:v10+s15+$0x0], $0xffff  }
0xeb: {  	v11 =	vld.idx.msk [tilespmem:v11+s15+$0x0], $0xffff  }
0xec: {  	v12 =	vld.idx.msk [tilespmem:v12+s15+$0x0], $0xffff  }
0xed: {  	v13 =	vld.idx.msk [tilespmem:v13+s15+$0x0], $0xffff  }
0xee: {  	v15 =	vld.idx.msk [tilespmem:v15+s15+$0x0], $0xffff  }
0xef: {  	v18 =	vld.idx.msk [tilespmem:v14+s15+$0x0], $0xffff  }
0xf0: {  	v16 =	vld.idx.msk [tilespmem:v16+s15+$0x0], $0xffff;
	[tilespmem:s21+$0x8670] =	vst v10;
	s21 =	smov.u32 s22;
	s22 =	smov.u32 s24;
	s24 =	smov.u32 s26  }
0xf1: {  	s26 =	smov.u32 s29;
	s29 =	smov.u32 s0;
	s0 =	smov.u32 s11;
	v14 =	vld.idx.msk [tilespmem:v17+s15+$0x0], $0xffff;
	[tilespmem:s21+$0x8660] =	vst v11  }
.Ltmp6:
0xf2: {  	[tilespmem:s22+$0x8650] =	vst v12;
	v10 =	vld [tilespmem:s23+$0x670];
	s23 =	smov.u32 s25;
	s25 =	smov.u32 s28;
	(pc) =	sbr.rel @p1 .LBB2_6-.Ltmp6, $4  }
0xf3: {  	s28 =	smov.u32 s30;
	s30 =	smov.u32 s31;
	s31 =	smov.u32 s4;
	[tilespmem:s24+$0x8640] =	vst v13;
	v11 =	vld [tilespmem:s23+$0x660]  }
0xf4: {  	s11 =	sshll.u32 s13, $0x4;
	s13 =	smov.u32 s8;
	s4 =	smov.u32 s12;
	[tilespmem:s26+$0x8630] =	vst v15;
	v12 =	vld [tilespmem:s25+$0x650]  }
0xf5: {  	s11 =	sand.u32 $0x3FFFFF80, s11;
	s12 =	sshll.u32 s10, $0xB;
	s10 =	sand.u32 $0x7, s8;
	[tilespmem:s29+$0x8620] =	vst v18;
	v13 =	vld [tilespmem:s28+$0x640]  }
0xf6: {  	s16 =	sshll.u32 s13, $0x7;
	s8 =	sadd.s32 $0x1, s8;
	s11 =	sadd.s32 s11, s12;
	[tilespmem:s0+$0x8610] =	vst v16;
	v15 =	vld [tilespmem:s30+$0x630]  }
0xf7: {  	s8 =	sand.u32 $0x3FFFFC00, s16;
	s12 =	sshll.u32 s10, $0x7  }
0xf8: {  	s8 =	sor.u32 s12, s8  }
0xf9: {  	v16 =	vld [tilespmem:s8+$0x600];
	_ =	sdelay $0x7  }
0xfa: {  	v16 =	vld.idx.msk [tilespmem:v16+s15+$0x0], $0xffff;
	_ =	sdelay $0x1  }
0xfb: {  	s16 =	sshll.u32 s13, $0x4  }
0xfc: {  	s13 =	sshll.u32 s10, $0xB;
	[tilespmem:s11+$0x8600] =	vst v14;
	s12 =	sand.u32 $0x3FFFFF80, s16  }
0xfd: {  	v14 =	vld [tilespmem:s4+$0x610];
	s16 =	sadd.s32 s12, s13  }
0xfe: {  	[tilespmem:s16+$0x8600] =	vst v16  }
0xff: {  	v16 =	vld [tilespmem:s8+$0x610];
	_ =	sdelay $0x5  }
0x100: {  	v14 =	vld.idx.msk [tilespmem:v14+s15+$0x0], $0xffff;
	_ =	sdelay $0x1  }
0x101: {  	v16 =	vld.idx.msk [tilespmem:v16+s15+$0x0], $0xffff;
	_ =	sdelay $0x2  }
0x102: {  	v17 =	vld [tilespmem:s31+$0x620];
	[tilespmem:s11+$0x8610] =	vst v14  }
0x103: {  	v14 =	vld [tilespmem:s4+$0x620]  }
0x104: {  	[tilespmem:s16+$0x8610] =	vst v16  }
0x105: {  	v16 =	vld [tilespmem:s8+$0x620];
	_ =	sdelay $0x4  }
0x106: {  	v17 =	vld.idx.msk [tilespmem:v17+s15+$0x0], $0xffff  }
0x107: {  	v14 =	vld.idx.msk [tilespmem:v14+s15+$0x0], $0xffff;
	_ =	sdelay $0x1  }
0x108: {  	v16 =	vld.idx.msk [tilespmem:v16+s15+$0x0], $0xffff;
	_ =	sdelay $0x1  }
0x109: {  	[tilespmem:s0+$0x8620] =	vst v17  }
0x10a: {  	v17 =	vld [tilespmem:s31+$0x630];
	[tilespmem:s11+$0x8620] =	vst v14  }
0x10b: {  	v14 =	vld [tilespmem:s4+$0x630]  }
0x10c: {  	[tilespmem:s16+$0x8620] =	vst v16  }
0x10d: {  	v16 =	vld [tilespmem:s8+$0x630];
	_ =	sdelay $0x3  }
0x10e: {  	v15 =	vld.idx.msk [tilespmem:v15+s15+$0x0], $0xffff  }
0x10f: {  	v17 =	vld.idx.msk [tilespmem:v17+s15+$0x0], $0xffff  }
0x110: {  	v14 =	vld.idx.msk [tilespmem:v14+s15+$0x0], $0xffff;
	_ =	sdelay $0x1  }
0x111: {  	v16 =	vld.idx.msk [tilespmem:v16+s15+$0x0], $0xffff  }
0x112: {  	[tilespmem:s29+$0x8630] =	vst v15  }
0x113: {  	v15 =	vld [tilespmem:s30+$0x640];
	[tilespmem:s0+$0x8630] =	vst v17  }
0x114: {  	v17 =	vld [tilespmem:s31+$0x640];
	[tilespmem:s11+$0x8630] =	vst v14  }
0x115: {  	v14 =	vld [tilespmem:s4+$0x640]  }
0x116: {  	[tilespmem:s16+$0x8630] =	vst v16  }
0x117: {  	v16 =	vld [tilespmem:s8+$0x640];
	_ =	sdelay $0x2  }
0x118: {  	v13 =	vld.idx.msk [tilespmem:v13+s15+$0x0], $0xffff  }
0x119: {  	v15 =	vld.idx.msk [tilespmem:v15+s15+$0x0], $0xffff  }
0x11a: {  	v17 =	vld.idx.msk [tilespmem:v17+s15+$0x0], $0xffff  }
0x11b: {  	v14 =	vld.idx.msk [tilespmem:v14+s15+$0x0], $0xffff;
	_ =	sdelay $0x1  }
0x11c: {  	[tilespmem:s26+$0x8640] =	vst v13;
	v16 =	vld.idx.msk [tilespmem:v16+s15+$0x0], $0xffff  }
0x11d: {  	v13 =	vld [tilespmem:s28+$0x650];
	[tilespmem:s29+$0x8640] =	vst v15  }
0x11e: {  	v15 =	vld [tilespmem:s30+$0x650];
	[tilespmem:s0+$0x8640] =	vst v17  }
0x11f: {  	v17 =	vld [tilespmem:s31+$0x650];
	[tilespmem:s11+$0x8640] =	vst v14  }
0x120: {  	v14 =	vld [tilespmem:s4+$0x650]  }
0x121: {  	[tilespmem:s16+$0x8640] =	vst v16  }
0x122: {  	v16 =	vld [tilespmem:s8+$0x650];
	_ =	sdelay $0x1  }
0x123: {  	v11 =	vld.idx.msk [tilespmem:v11+s15+$0x0], $0xffff  }
0x124: {  	v13 =	vld.idx.msk [tilespmem:v13+s15+$0x0], $0xffff  }
0x125: {  	v15 =	vld.idx.msk [tilespmem:v15+s15+$0x0], $0xffff  }
0x126: {  	v17 =	vld.idx.msk [tilespmem:v17+s15+$0x0], $0xffff  }
0x127: {  	v14 =	vld.idx.msk [tilespmem:v14+s15+$0x0], $0xffff  }
0x128: {  	v12 =	vld.idx.msk [tilespmem:v12+s15+$0x0], $0xffff  }
0x129: {  	[tilespmem:s26+$0x8650] =	vst v13;
	v62 =	vld.idx.msk [tilespmem:v16+s15+$0x0], $0xffff  }
0x12a: {  	v13 =	vld [tilespmem:s28+$0x660];
	[tilespmem:s29+$0x8650] =	vst v15  }
0x12b: {  	v15 =	vld [tilespmem:s30+$0x660];
	[tilespmem:s0+$0x8650] =	vst v17  }
0x12c: {  	v17 =	vld [tilespmem:s31+$0x660];
	[tilespmem:s11+$0x8650] =	vst v14  }
0x12d: {  	[tilespmem:s24+$0x8650] =	vst v12;
	v14 =	vld [tilespmem:s4+$0x660]  }
0x12e: {  	v63 =	vld [tilespmem:s25+$0x660];
	[tilespmem:s16+$0x8650] =	vst v62  }
0x12f: {  	v12 =	vld [tilespmem:s8+$0x660]  }
0x130: {  	v10 =	vld.idx.msk [tilespmem:v10+s15+$0x0], $0xffff;
	[tilespmem:s22+$0x8660] =	vst v11  }
0x131: {  	v11 =	vld [tilespmem:s23+$0x670]  }
0x132: {  	v13 =	vld.idx.msk [tilespmem:v13+s15+$0x0], $0xffff  }
0x133: {  	v15 =	vld.idx.msk [tilespmem:v15+s15+$0x0], $0xffff  }
0x134: {  	v17 =	vld.idx.msk [tilespmem:v17+s15+$0x0], $0xffff  }
0x135: {  	v14 =	vld.idx.msk [tilespmem:v14+s15+$0x0], $0xffff  }
0x136: {  	v16 =	vld.idx.msk [tilespmem:v63+s15+$0x0], $0xffff  }
0x137: {  	[tilespmem:s26+$0x8660] =	vst v13;
	v12 =	vld.idx.msk [tilespmem:v12+s15+$0x0], $0xffff  }
0x138: {  	v13 =	vld [tilespmem:s28+$0x670];
	[tilespmem:s29+$0x8660] =	vst v15  }
0x139: {  	v15 =	vld [tilespmem:s30+$0x670];
	[tilespmem:s0+$0x8660] =	vst v17  }
0x13a: {  	v17 =	vld [tilespmem:s31+$0x670];
	[tilespmem:s11+$0x8660] =	vst v14  }
0x13b: {  	[tilespmem:s24+$0x8660] =	vst v16;
	v14 =	vld [tilespmem:s4+$0x670]  }
0x13c: {  	v16 =	vld [tilespmem:s25+$0x670];
	[tilespmem:s16+$0x8660] =	vst v12  }
0x13d: {  	v12 =	vld [tilespmem:s8+$0x670]  }
0x13e: {  	v11 =	vld.idx.msk [tilespmem:v11+s15+$0x0], $0xffff;
	_ =	sdelay $0x1  }
0x13f: {  	v13 =	vld.idx.msk [tilespmem:v13+s15+$0x0], $0xffff  }
0x140: {  	v15 =	vld.idx.msk [tilespmem:v15+s15+$0x0], $0xffff  }
0x141: {  	[tilespmem:s21+$0x8670] =	vst v10;
	v10 =	vld.idx.msk [tilespmem:v17+s15+$0x0], $0xffff  }
0x142: {  	[tilespmem:s22+$0x8670] =	vst v11;
	v11 =	vld.idx.msk [tilespmem:v14+s15+$0x0], $0xffff  }
0x143: {  	v16 =	vld.idx.msk [tilespmem:v16+s15+$0x0], $0xffff  }
0x144: {  	[tilespmem:s26+$0x8670] =	vst v13;
	v12 =	vld.idx.msk [tilespmem:v12+s15+$0x0], $0xffff  }
0x145: {  	p1 =	sgt.u32 s2, $0xC7;
	[tilespmem:s29+$0x8670] =	vst v15  }
0x146: {  	s2 =	sshll.u32 @!p1 s3, $0x8;
	[tilespmem:s0+$0x8670] =	vst v10  }
0x147: {  	s3 =	sshll.u32 @!p1 s3, $0xB;
	s2 =	sand.u32 @!p1 $0x700, s2;
	[tilespmem:s11+$0x8670] =	vst v11  }
0x148: {  	s2 =	sadd.s32 @!p1 s5, s2;
	s0 =	sand.u32 @!p1 $0x7C000, s3;
	s3 =	simm.s32 @!p1 $0x4000;
	[tilespmem:s24+$0x8670] =	vst v16  }
0x149: {  	s0 =	sadd.s32 @!p1 s0, s2;
	s2 =	simm.s32 @!p1 $0x800;
	s4 =	simm.s32 @!p1 $0x8600;
	[tilespmem:s16+$0x8670] =	vst v12  }
0x14a: {  	[hbm4b:s0+s2] =	stream.strided.scatter @!p1 [tilespmem:s4], [sflag:$0x3], $0x4000, s3, s2, $0x38;
	[tilespmem:$0x10600] =	vst v63  }
0x14b: {  	p1 =	seq.s32 s20, $0x0  }
.Ltmp7:
0x14c: {  	_ = 	snop;
	(pc) =	sbr.rel @p1 .LBB2_11-.Ltmp7, $1  }
0x14d: {  	_ =	sdelay $0x3  }
.LBB2_8:
0x14e: {  	p1 =	seq.s32 s19, $0x6  }
0x14f: {  	s2 =	sshll.u32 @!p1 s19, $0x5  }
0x150: {  	s0 =	sadd.s32 @!p1 s9, s2  }
0x151: {  	s0 =	smin.u32 @!p1 s0, $0xC7  }
0x152: {  	s0 =	sshll.u32 @!p1 s0, $0xB  }
0x153: {  	s3 =	simm.s32 @!p1 $0x0;
	s4 =	simm.s32 @!p1 $0x600;
	s0 =	sadd.s32 @!p1 s1, s0  }
0x154: {  	[tilespmem:s4], [sflag:$0x1] =	stream.linear.gather @!p1 [hbm4b:s0+s3], $0x4000, $0x38;
	[tilespmem:$0x10600] =	vst v63  }
0x155: {  	_ =	swait.ge [sflag:s14], $0x4000  }
0x156: {  	p2 =	slt.u32 s19, $0x2;
	[sflag:s14] =	ssyncset.done $0x0  }
0x157: {  	s11 =	simm.s32 $0x0;
	s0 =	simm.s32 @!p2 $0x4;
	[sflag:s14] =	ssyncadd.s32 $0xFFFFC000  }
0x158: {  	s13 =	simm.s32 $0x0;
	s12 =	sand.u32 $0x7, s11;
	_ =	swait.ge @!p2 [sflag:s0], $0x4000  }
0x159: {  	s8 =	sshll.u32 s12, $0x7;
	s3 =	sand.u32 $0x3FFFFC00, s13;
	[sflag:s0] =	ssyncset.done @!p2 $0x0  }
0x15a: {  	s3 =	sor.u32 s8, s3;
	[sflag:s0] =	ssyncadd.s32 @!p2 $0xFFFFC000  }
0x15b: {  	v10 =	vld [tilespmem:s3+$0x4600];
	_ =	sdelay $0x7  }
0x15c: {  	v10 =	vld.idx.msk [tilespmem:v10+s15+$0x0], $0xffff;
	_ =	sdelay $0x1  }
0x15d: {  	s16 =	simm.s32 $0x0  }
0x15e: {  	s20 =	simm.s32 $0x1;
	s4 =	sshll.u32 s12, $0xB;
	s0 =	sand.u32 $0x3FFFFF80, s16  }
0x15f: {  	s10 =	simm.s32 $0x80;
	s8 =	sand.u32 $0x7, s20;
	s20 =	sadd.s32 s0, s4  }
0x160: {  	s21 =	sand.u32 $0x3FFFFC00, s10;
	s22 =	sshll.u32 s8, $0x7;
	[tilespmem:s20+$0xC600] =	vst v10  }
0x161: {  	s22 =	sor.u32 s22, s21;
	v10 =	vld [tilespmem:s3+$0x4610]  }
0x162: {  	v11 =	vld [tilespmem:s22+$0x4600];
	_ =	sdelay $0x6  }
0x163: {  	v10 =	vld.idx.msk [tilespmem:v10+s15+$0x0], $0xffff  }
0x164: {  	v11 =	vld.idx.msk [tilespmem:v11+s15+$0x0], $0xffff;
	_ =	sdelay $0x1  }
0x165: {  	s23 =	simm.s32 $0x10  }
0x166: {  	s24 =	simm.s32 $0x2;
	s8 =	sshll.u32 s8, $0xB;
	s0 =	sand.u32 $0x3FFFFF80, s23  }
0x167: {  	s25 =	simm.s32 $0x100;
	s4 =	sand.u32 $0x7, s24;
	s21 =	sadd.s32 s0, s8;
	[tilespmem:s20+$0xC610] =	vst v10  }
0x168: {  	s26 =	sand.u32 $0x3FFFFC00, s25;
	s31 =	sshll.u32 s4, $0x7;
	[tilespmem:s21+$0xC600] =	vst v11;
	v10 =	vld [tilespmem:s3+$0x4620]  }
0x169: {  	s24 =	sor.u32 s31, s26;
	v11 =	vld [tilespmem:s22+$0x4610]  }
0x16a: {  	v12 =	vld [tilespmem:s24+$0x4600];
	_ =	sdelay $0x5  }
0x16b: {  	v10 =	vld.idx.msk [tilespmem:v10+s15+$0x0], $0xffff  }
0x16c: {  	v11 =	vld.idx.msk [tilespmem:v11+s15+$0x0], $0xffff  }
0x16d: {  	v12 =	vld.idx.msk [tilespmem:v12+s15+$0x0], $0xffff;
	_ =	sdelay $0x1  }
0x16e: {  	s8 =	simm.s32 $0x20  }
0x16f: {  	s10 =	simm.s32 $0x3;
	s4 =	sshll.u32 s4, $0xB;
	s0 =	sand.u32 $0x3FFFFF80, s8;
	[tilespmem:s20+$0xC620] =	vst v10  }
0x170: {  	s11 =	simm.s32 $0x180;
	s8 =	sand.u32 $0x7, s10;
	s23 =	sadd.s32 s0, s4;
	[tilespmem:s21+$0xC610] =	vst v11;
	v10 =	vld [tilespmem:s3+$0x4630]  }
0x171: {  	s12 =	sand.u32 $0x3FFFFC00, s11;
	s13 =	sshll.u32 s8, $0x7;
	[tilespmem:s23+$0xC600] =	vst v12;
	v11 =	vld [tilespmem:s22+$0x4620]  }
0x172: {  	s26 =	sor.u32 s13, s12;
	v12 =	vld [tilespmem:s24+$0x4610]  }
0x173: {  	v13 =	vld [tilespmem:s26+$0x4600];
	_ =	sdelay $0x4  }
0x174: {  	v10 =	vld.idx.msk [tilespmem:v10+s15+$0x0], $0xffff  }
0x175: {  	v11 =	vld.idx.msk [tilespmem:v11+s15+$0x0], $0xffff  }
0x176: {  	v12 =	vld.idx.msk [tilespmem:v12+s15+$0x0], $0xffff  }
0x177: {  	v13 =	vld.idx.msk [tilespmem:v13+s15+$0x0], $0xffff;
	_ =	sdelay $0x1  }
0x178: {  	s16 =	simm.s32 $0x30;
	[tilespmem:s20+$0xC630] =	vst v10  }
0x179: {  	s25 =	simm.s32 $0x4;
	s8 =	sshll.u32 s8, $0xB;
	s0 =	sand.u32 $0x3FFFFF80, s16;
	[tilespmem:s21+$0xC620] =	vst v11;
	v10 =	vld [tilespmem:s3+$0x4640]  }
0x17a: {  	s31 =	simm.s32 $0x200;
	s4 =	sand.u32 $0x7, s25;
	s25 =	sadd.s32 s0, s8;
	[tilespmem:s23+$0xC610] =	vst v12;
	v11 =	vld [tilespmem:s22+$0x4630]  }
0x17b: {  	s8 =	sand.u32 $0x3FFFFC00, s31;
	s10 =	sshll.u32 s4, $0x7;
	[tilespmem:s25+$0xC600] =	vst v13;
	v12 =	vld [tilespmem:s24+$0x4620]  }
0x17c: {  	s29 =	sor.u32 s10, s8;
	v13 =	vld [tilespmem:s26+$0x4610]  }
0x17d: {  	v14 =	vld [tilespmem:s29+$0x4600];
	_ =	sdelay $0x3  }
0x17e: {  	v10 =	vld.idx.msk [tilespmem:v10+s15+$0x0], $0xffff  }
0x17f: {  	s11 =	simm.s32 $0x40;
	s12 =	simm.s32 $0x5;
	v11 =	vld.idx.msk [tilespmem:v11+s15+$0x0], $0xffff  }
0x180: {  	s4 =	sshll.u32 s4, $0xB;
	s13 =	simm.s32 $0x280;
	s8 =	sand.u32 $0x7, s12;
	v12 =	vld.idx.msk [tilespmem:v12+s15+$0x0], $0xffff  }
0x181: {  	s0 =	sand.u32 $0x3FFFFF80, s11;
	s16 =	sand.u32 $0x3FFFFC00, s13;
	s31 =	sshll.u32 s8, $0x7;
	v13 =	vld.idx.msk [tilespmem:v13+s15+$0x0], $0xffff  }
0x182: {  	s28 =	sadd.s32 s0, s4;
	s0 =	sor.u32 s31, s16;
	v14 =	vld.idx.msk [tilespmem:v14+s15+$0x0], $0xffff  }
0x183: {  	v15 =	vld [tilespmem:s0+$0x4600];
	[tilespmem:s20+$0xC640] =	vst v10  }
0x184: {  	[tilespmem:s21+$0xC630] =	vst v11;
	v10 =	vld [tilespmem:s3+$0x4650]  }
0x185: {  	[tilespmem:s23+$0xC620] =	vst v12;
	v11 =	vld [tilespmem:s22+$0x4640]  }
0x186: {  	[tilespmem:s25+$0xC610] =	vst v13;
	v12 =	vld [tilespmem:s24+$0x4630]  }
0x187: {  	[tilespmem:s28+$0xC600] =	vst v14;
	v13 =	vld [tilespmem:s26+$0x4620]  }
0x188: {  	v14 =	vld [tilespmem:s29+$0x4610];
	_ =	sdelay $0x2  }
0x189: {  	v15 =	vld.idx.msk [tilespmem:v15+s15+$0x0], $0xffff  }
0x18a: {  	v10 =	vld.idx.msk [tilespmem:v10+s15+$0x0], $0xffff  }
0x18b: {  	s10 =	simm.s32 $0x50;
	v11 =	vld.idx.msk [tilespmem:v11+s15+$0x0], $0xffff  }
0x18c: {  	s8 =	sshll.u32 s8, $0xB;
	s4 =	sand.u32 $0x3FFFFF80, s10;
	v12 =	vld.idx.msk [tilespmem:v12+s15+$0x0], $0xffff  }
0x18d: {  	s30 =	sadd.s32 s4, s8;
	v13 =	vld.idx.msk [tilespmem:v13+s15+$0x0], $0xffff  }
0x18e: {  	[tilespmem:s30+$0xC600] =	vst v15;
	v14 =	vld.idx.msk [tilespmem:v14+s15+$0x0], $0xffff  }
0x18f: {  	v15 =	vld [tilespmem:s0+$0x4610];
	[tilespmem:s20+$0xC650] =	vst v10  }
0x190: {  	[tilespmem:s21+$0xC640] =	vst v11;
	v10 =	vld [tilespmem:s3+$0x4660]  }
0x191: {  	s11 =	simm.s32 $0x6;
	[tilespmem:s23+$0xC630] =	vst v12;
	v11 =	vld [tilespmem:s22+$0x4650]  }
0x192: {  	s11 =	sand.u32 $0x7, s11;
	s12 =	simm.s32 $0x300;
	[tilespmem:s25+$0xC620] =	vst v13;
	v12 =	vld [tilespmem:s24+$0x4640]  }
0x193: {  	s13 =	sand.u32 $0x3FFFFC00, s12;
	s16 =	sshll.u32 s11, $0x7;
	[tilespmem:s28+$0xC610] =	vst v14;
	v13 =	vld [tilespmem:s26+$0x4630]  }
0x194: {  	s4 =	sor.u32 s16, s13;
	v14 =	vld [tilespmem:s29+$0x4620]  }
0x195: {  	v16 =	vld [tilespmem:s4+$0x4600];
	_ =	sdelay $0x1  }
0x196: {  	v15 =	vld.idx.msk [tilespmem:v15+s15+$0x0], $0xffff  }
0x197: {  	v10 =	vld.idx.msk [tilespmem:v10+s15+$0x0], $0xffff  }
0x198: {  	v11 =	vld.idx.msk [tilespmem:v11+s15+$0x0], $0xffff  }
0x199: {  	v12 =	vld.idx.msk [tilespmem:v12+s15+$0x0], $0xffff  }
0x19a: {  	v13 =	vld.idx.msk [tilespmem:v13+s15+$0x0], $0xffff  }
0x19b: {  	v17 =	vld.idx.msk [tilespmem:v14+s15+$0x0], $0xffff  }
0x19c: {  	v14 =	vld.idx.msk [tilespmem:v16+s15+$0x0], $0xffff;
	[tilespmem:s20+$0xC660] =	vst v10  }
0x19d: {  	s2 =	simm.s32 @p1 $0xC0;
	[tilespmem:s21+$0xC650] =	vst v11;
	v10 =	vld [tilespmem:s3+$0x4670]  }
0x19e: {  	s2 =	sor.u32 s7, s2;
	[tilespmem:s23+$0xC640] =	vst v12;
	v11 =	vld [tilespmem:s22+$0x4660]  }
0x19f: {  	s31 =	simm.s32 $0x60;
	s11 =	sshll.u32 s11, $0xB;
	s8 =	simm.s32 $0x8;
	[tilespmem:s25+$0xC630] =	vst v13;
	v12 =	vld [tilespmem:s24+$0x4650]  }
0x1a0: {  	s13 =	simm.s32 $0x7;
	s12 =	sand.u32 $0x3FFFFF80, s31;
	s16 =	simm.s32 $0x380;
	[tilespmem:s28+$0xC620] =	vst v17;
	v13 =	vld [tilespmem:s26+$0x4640]  }
0x1a1: {  	s10 =	sand.u32 $0x7, s13;
	s11 =	sadd.s32 s12, s11;
	[tilespmem:s30+$0xC610] =	vst v15;
	v15 =	vld [tilespmem:s29+$0x4630];
	s3 =	smin.u32 s2, $0xC7  }
.LBB2_9:
0x1a2: {  	p1 =	sne.s32 s8, $0x7F;
	s12 =	sand.u32 $0x3FFFFC00, s16;
	s16 =	sshll.u32 s10, $0x7;
	[tilespmem:s11+$0xC600] =	vst v14;
	v14 =	vld [tilespmem:s0+$0x4620]  }
0x1a3: {  	s12 =	sor.u32 s16, s12;
	v16 =	vld [tilespmem:s4+$0x4610]  }
0x1a4: {  	v17 =	vld [tilespmem:s12+$0x4600]  }
0x1a5: {  	v10 =	vld.idx.msk [tilespmem:v10+s15+$0x0], $0xffff  }
0x1a6: {  	v11 =	vld.idx.msk [tilespmem:v11+s15+$0x0], $0xffff  }
0x1a7: {  	v12 =	vld.idx.msk [tilespmem:v12+s15+$0x0], $0xffff  }
0x1a8: {  	v13 =	vld.idx.msk [tilespmem:v13+s15+$0x0], $0xffff  }
0x1a9: {  	v15 =	vld.idx.msk [tilespmem:v15+s15+$0x0], $0xffff  }
0x1aa: {  	v18 =	vld.idx.msk [tilespmem:v14+s15+$0x0], $0xffff  }
0x1ab: {  	v16 =	vld.idx.msk [tilespmem:v16+s15+$0x0], $0xffff;
	[tilespmem:s20+$0xC670] =	vst v10;
	s20 =	smov.u32 s21;
	s21 =	smov.u32 s23;
	s23 =	smov.u32 s25  }
0x1ac: {  	s25 =	smov.u32 s28;
	s28 =	smov.u32 s30;
	s30 =	smov.u32 s11;
	v14 =	vld.idx.msk [tilespmem:v17+s15+$0x0], $0xffff;
	[tilespmem:s20+$0xC660] =	vst v11  }
.Ltmp8:
0x1ad: {  	[tilespmem:s21+$0xC650] =	vst v12;
	v10 =	vld [tilespmem:s22+$0x4670];
	s22 =	smov.u32 s24;
	s24 =	smov.u32 s26;
	(pc) =	sbr.rel @p1 .LBB2_9-.Ltmp8, $4  }
0x1ae: {  	s26 =	smov.u32 s29;
	s29 =	smov.u32 s0;
	s0 =	smov.u32 s4;
	[tilespmem:s23+$0xC640] =	vst v13;
	v11 =	vld [tilespmem:s22+$0x4660]  }
0x1af: {  	s11 =	sshll.u32 s13, $0x4;
	s13 =	smov.u32 s8;
	s4 =	smov.u32 s12;
	[tilespmem:s25+$0xC630] =	vst v15;
	v12 =	vld [tilespmem:s24+$0x4650]  }
0x1b0: {  	s11 =	sand.u32 $0x3FFFFF80, s11;
	s12 =	sshll.u32 s10, $0xB;
	s10 =	sand.u32 $0x7, s8;
	[tilespmem:s28+$0xC620] =	vst v18;
	v13 =	vld [tilespmem:s26+$0x4640]  }
0x1b1: {  	s16 =	sshll.u32 s13, $0x7;
	s8 =	sadd.s32 $0x1, s8;
	s11 =	sadd.s32 s11, s12;
	[tilespmem:s30+$0xC610] =	vst v16;
	v15 =	vld [tilespmem:s29+$0x4630]  }
0x1b2: {  	s8 =	sand.u32 $0x3FFFFC00, s16;
	s12 =	sshll.u32 s10, $0x7  }
0x1b3: {  	s8 =	sor.u32 s12, s8  }
0x1b4: {  	v16 =	vld [tilespmem:s8+$0x4600];
	_ =	sdelay $0x7  }
0x1b5: {  	v16 =	vld.idx.msk [tilespmem:v16+s15+$0x0], $0xffff;
	_ =	sdelay $0x1  }
0x1b6: {  	s13 =	sshll.u32 s13, $0x4  }
0x1b7: {  	s16 =	sshll.u32 s10, $0xB;
	[tilespmem:s11+$0xC600] =	vst v14;
	s12 =	sand.u32 $0x3FFFFF80, s13  }
0x1b8: {  	v14 =	vld [tilespmem:s4+$0x4610];
	s31 =	sadd.s32 s12, s16  }
0x1b9: {  	[tilespmem:s31+$0xC600] =	vst v16  }
0x1ba: {  	v16 =	vld [tilespmem:s8+$0x4610];
	_ =	sdelay $0x5  }
0x1bb: {  	v14 =	vld.idx.msk [tilespmem:v14+s15+$0x0], $0xffff;
	_ =	sdelay $0x1  }
0x1bc: {  	v16 =	vld.idx.msk [tilespmem:v16+s15+$0x0], $0xffff;
	_ =	sdelay $0x2  }
0x1bd: {  	v17 =	vld [tilespmem:s0+$0x4620];
	[tilespmem:s11+$0xC610] =	vst v14  }
0x1be: {  	v14 =	vld [tilespmem:s4+$0x4620]  }
0x1bf: {  	[tilespmem:s31+$0xC610] =	vst v16  }
0x1c0: {  	v16 =	vld [tilespmem:s8+$0x4620];
	_ =	sdelay $0x4  }
0x1c1: {  	v17 =	vld.idx.msk [tilespmem:v17+s15+$0x0], $0xffff  }
0x1c2: {  	v14 =	vld.idx.msk [tilespmem:v14+s15+$0x0], $0xffff;
	_ =	sdelay $0x1  }
0x1c3: {  	v16 =	vld.idx.msk [tilespmem:v16+s15+$0x0], $0xffff;
	_ =	sdelay $0x1  }
0x1c4: {  	[tilespmem:s30+$0xC620] =	vst v17  }
0x1c5: {  	v17 =	vld [tilespmem:s0+$0x4630];
	[tilespmem:s11+$0xC620] =	vst v14  }
0x1c6: {  	v14 =	vld [tilespmem:s4+$0x4630]  }
0x1c7: {  	[tilespmem:s31+$0xC620] =	vst v16  }
0x1c8: {  	v16 =	vld [tilespmem:s8+$0x4630];
	_ =	sdelay $0x3  }
0x1c9: {  	v15 =	vld.idx.msk [tilespmem:v15+s15+$0x0], $0xffff  }
0x1ca: {  	v17 =	vld.idx.msk [tilespmem:v17+s15+$0x0], $0xffff  }
0x1cb: {  	v14 =	vld.idx.msk [tilespmem:v14+s15+$0x0], $0xffff;
	_ =	sdelay $0x1  }
0x1cc: {  	v16 =	vld.idx.msk [tilespmem:v16+s15+$0x0], $0xffff  }
0x1cd: {  	[tilespmem:s28+$0xC630] =	vst v15  }
0x1ce: {  	v15 =	vld [tilespmem:s29+$0x4640];
	[tilespmem:s30+$0xC630] =	vst v17  }
0x1cf: {  	v17 =	vld [tilespmem:s0+$0x4640];
	[tilespmem:s11+$0xC630] =	vst v14  }
0x1d0: {  	v14 =	vld [tilespmem:s4+$0x4640]  }
0x1d1: {  	[tilespmem:s31+$0xC630] =	vst v16  }
0x1d2: {  	v16 =	vld [tilespmem:s8+$0x4640];
	_ =	sdelay $0x2  }
0x1d3: {  	v13 =	vld.idx.msk [tilespmem:v13+s15+$0x0], $0xffff  }
0x1d4: {  	v15 =	vld.idx.msk [tilespmem:v15+s15+$0x0], $0xffff  }
0x1d5: {  	v17 =	vld.idx.msk [tilespmem:v17+s15+$0x0], $0xffff  }
0x1d6: {  	v14 =	vld.idx.msk [tilespmem:v14+s15+$0x0], $0xffff;
	_ =	sdelay $0x1  }
0x1d7: {  	[tilespmem:s25+$0xC640] =	vst v13;
	v16 =	vld.idx.msk [tilespmem:v16+s15+$0x0], $0xffff  }
0x1d8: {  	v13 =	vld [tilespmem:s26+$0x4650];
	[tilespmem:s28+$0xC640] =	vst v15  }
0x1d9: {  	v15 =	vld [tilespmem:s29+$0x4650];
	[tilespmem:s30+$0xC640] =	vst v17  }
0x1da: {  	v17 =	vld [tilespmem:s0+$0x4650];
	[tilespmem:s11+$0xC640] =	vst v14  }
0x1db: {  	v14 =	vld [tilespmem:s4+$0x4650]  }
0x1dc: {  	[tilespmem:s31+$0xC640] =	vst v16  }
0x1dd: {  	v16 =	vld [tilespmem:s8+$0x4650];
	_ =	sdelay $0x1  }
0x1de: {  	v11 =	vld.idx.msk [tilespmem:v11+s15+$0x0], $0xffff  }
0x1df: {  	v13 =	vld.idx.msk [tilespmem:v13+s15+$0x0], $0xffff  }
0x1e0: {  	v15 =	vld.idx.msk [tilespmem:v15+s15+$0x0], $0xffff  }
0x1e1: {  	v17 =	vld.idx.msk [tilespmem:v17+s15+$0x0], $0xffff  }
0x1e2: {  	v14 =	vld.idx.msk [tilespmem:v14+s15+$0x0], $0xffff  }
0x1e3: {  	v12 =	vld.idx.msk [tilespmem:v12+s15+$0x0], $0xffff  }
0x1e4: {  	[tilespmem:s25+$0xC650] =	vst v13;
	v62 =	vld.idx.msk [tilespmem:v16+s15+$0x0], $0xffff  }
0x1e5: {  	v13 =	vld [tilespmem:s26+$0x4660];
	[tilespmem:s28+$0xC650] =	vst v15  }
0x1e6: {  	v15 =	vld [tilespmem:s29+$0x4660];
	[tilespmem:s30+$0xC650] =	vst v17  }
0x1e7: {  	v17 =	vld [tilespmem:s0+$0x4660];
	[tilespmem:s11+$0xC650] =	vst v14  }
0x1e8: {  	[tilespmem:s23+$0xC650] =	vst v12;
	v14 =	vld [tilespmem:s4+$0x4660]  }
0x1e9: {  	v63 =	vld [tilespmem:s24+$0x4660];
	[tilespmem:s31+$0xC650] =	vst v62  }
0x1ea: {  	v12 =	vld [tilespmem:s8+$0x4660]  }
0x1eb: {  	v10 =	vld.idx.msk [tilespmem:v10+s15+$0x0], $0xffff;
	[tilespmem:s21+$0xC660] =	vst v11  }
0x1ec: {  	v11 =	vld [tilespmem:s22+$0x4670]  }
0x1ed: {  	v13 =	vld.idx.msk [tilespmem:v13+s15+$0x0], $0xffff  }
0x1ee: {  	v15 =	vld.idx.msk [tilespmem:v15+s15+$0x0], $0xffff  }
0x1ef: {  	v17 =	vld.idx.msk [tilespmem:v17+s15+$0x0], $0xffff  }
0x1f0: {  	v14 =	vld.idx.msk [tilespmem:v14+s15+$0x0], $0xffff  }
0x1f1: {  	v16 =	vld.idx.msk [tilespmem:v63+s15+$0x0], $0xffff  }
0x1f2: {  	[tilespmem:s25+$0xC660] =	vst v13;
	v12 =	vld.idx.msk [tilespmem:v12+s15+$0x0], $0xffff  }
0x1f3: {  	v13 =	vld [tilespmem:s26+$0x4670];
	[tilespmem:s28+$0xC660] =	vst v15  }
0x1f4: {  	v15 =	vld [tilespmem:s29+$0x4670];
	[tilespmem:s30+$0xC660] =	vst v17  }
0x1f5: {  	v17 =	vld [tilespmem:s0+$0x4670];
	[tilespmem:s11+$0xC660] =	vst v14  }
0x1f6: {  	[tilespmem:s23+$0xC660] =	vst v16;
	v14 =	vld [tilespmem:s4+$0x4670]  }
0x1f7: {  	v16 =	vld [tilespmem:s24+$0x4670];
	[tilespmem:s31+$0xC660] =	vst v12  }
0x1f8: {  	v12 =	vld [tilespmem:s8+$0x4670]  }
0x1f9: {  	v11 =	vld.idx.msk [tilespmem:v11+s15+$0x0], $0xffff;
	_ =	sdelay $0x1  }
0x1fa: {  	v13 =	vld.idx.msk [tilespmem:v13+s15+$0x0], $0xffff  }
0x1fb: {  	v15 =	vld.idx.msk [tilespmem:v15+s15+$0x0], $0xffff  }
0x1fc: {  	[tilespmem:s20+$0xC670] =	vst v10;
	v10 =	vld.idx.msk [tilespmem:v17+s15+$0x0], $0xffff  }
0x1fd: {  	[tilespmem:s21+$0xC670] =	vst v11;
	v11 =	vld.idx.msk [tilespmem:v14+s15+$0x0], $0xffff  }
0x1fe: {  	v16 =	vld.idx.msk [tilespmem:v16+s15+$0x0], $0xffff  }
0x1ff: {  	[tilespmem:s25+$0xC670] =	vst v13;
	v12 =	vld.idx.msk [tilespmem:v12+s15+$0x0], $0xffff  }
0x200: {  	p1 =	sgt.u32 s2, $0xC7;
	[tilespmem:s28+$0xC670] =	vst v15  }
.Ltmp9:
0x201: {  	s0 =	sshll.u32 @!p1 s3, $0x8;
	[tilespmem:s30+$0xC670] =	vst v10;
	(pc) =	sbr.rel .LBB2_11-.Ltmp9, $4  }
0x202: {  	s2 =	sshll.u32 @!p1 s3, $0xB;
	s0 =	sand.u32 @!p1 $0x700, s0;
	[tilespmem:s11+$0xC670] =	vst v11  }
0x203: {  	s2 =	sand.u32 @!p1 $0x7C000, s2;
	s3 =	simm.s32 @!p1 $0x4000;
	s0 =	sadd.s32 @!p1 s5, s0;
	[tilespmem:s23+$0xC670] =	vst v16  }
0x204: {  	s0 =	sadd.s32 @!p1 s2, s0;
	s2 =	simm.s32 @!p1 $0x800;
	s4 =	simm.s32 @!p1 $0xC600;
	[tilespmem:s31+$0xC670] =	vst v12  }
0x205: {  	[hbm4b:s0+s2] =	stream.strided.scatter @!p1 [tilespmem:s4], [sflag:$0x4], $0x4000, s3, s2, $0x38;
	[tilespmem:$0x10600] =	vst v63  }
.LBB2_13:
0x206: {  	_ =	sfence.sel $0x180000  }
0x207: {  	[bflag:$0x0] =	sbarrier.arrive $0xFFFF  }
0x208: {  	_ =	strace $0x90000047  }
0x209: {  	s0 =	stileid.u32;
	[bflag:$0x2] =	sbarrier.arrive $0xFFFF  }
0x20a: {  	p0 =	sne.s32 s0, $0x0;
	s0 =	rddreg [dreg:$0x4]  }
0x20b: {  	s0 =	sadd.s32 @!p0 $0x100000, s0  }
0x20c: {  	[sflag:s0] =	ssyncadd.tile.s32 @!p0 $0x1;
	_ =	shalt  }
.Lfunc_end2:
_tile_overlayer_lowered:
.L_overlay_start_2:
0x20d: {  	(tag) =	ssettag $0x2  }
0x20e: {  	s0 =	rddreg [dreg:$0x0];
	s2 =	stileid.u32  }
0x20f: {  	s1 =	rddreg [dreg:$0x1];
	p0 =	sne.s32 s2, $0x0  }
0x210: {  	s3 =	rddreg [dreg:$0x2];
	[bflag:$0x3] =	sbarrier.arrive $0xFFFF;
	s2 =	simm.s32 @!p0 $0x1C05  }
0x211: {  	[timem:s3], [sflag:s2] =	dma.local @!p0 [hbm:s0], s1  }
0x212: {  	s0 =	simm.s32 @!p0 $0x5  }
0x213: {  	_ =	swait.ge @!p0 [sflag:s0], s1  }
0x214: {  	s1 =	ssub.s32 @!p0 $0x0, s1;
	[sflag:s0] =	ssyncset.done @!p0 $0x0  }
0x215: {  	[sflag:s0] =	ssyncadd.s32 @!p0 s1  }
0x216: {  	[bflag:$0x3] =	sbarrier.arrive $0xFFFF  }
0x217: {  	_ =	shalt  }

</sc_bundles>
